<compile_context>
chip_gen: v7x
topology: tpu7x:2x2x1
jax: 0.10.2.dev20260603
libtpu: 0.0.44.dev20260713+nightly
codegen_flags: <defaults>
</compile_context>

<pallas_src>
import functools

import jax
import jax.numpy as jnp
from jax import lax
from jax.experimental import pallas as pl
from jax.experimental.pallas import tpu as pltpu
from jax.experimental.pallas import tpu_sc as plsc

S = 100
SEQ = 40
NPS = 20
D = 256
H = 32
R = S * SEQ

NC, NS = 2, 16
NW = NC * NS
TOT = 20000
BP = 20480
BPW = BP // NW


def _dotT(a, b):
    return jax.lax.dot_general(a, b, (((1,), (1,)), ((), ())),
                               preferred_element_type=jnp.float32)


def _iota(shape, dim):
    return jax.lax.broadcasted_iota(jnp.int32, shape, dim)


CH = 40


def _sc_gather_body(table_hbm, idx_hbm, out_hbm, idx_v, rows_v, sem):
    wid = lax.axis_index("s") * NC + lax.axis_index("c")
    base = wid * BPW
    for i in range(BPW // CH):
        off = base + i * CH
        pltpu.sync_copy(idx_hbm.at[pl.ds(off, CH)], idx_v)
        pltpu.async_copy(table_hbm.at[idx_v], rows_v, sem).wait()
        pltpu.sync_copy(rows_v, out_hbm.at[pl.ds(off, CH)])


def _pool_kernel(fl_ref, w1_ref, w2_ref, qw_ref, w3_ref,
                 w1b_ref, w2b_ref, qb_ref, w3b_ref, out_ref):
    fl = fl_ref[:, :]
    a2 = _dotT(fl, w2_ref[:, :])

    rcol = _iota((S, R), 1)
    srow40 = SEQ * _iota((S, R), 0)
    Plast = (rcol == srow40 + (SEQ - 1)).astype(jnp.float32)
    Pseg = ((rcol >= srow40) & (rcol < srow40 + SEQ)).astype(jnp.float32)

    v_n = jnp.dot(Plast, fl, preferred_element_type=jnp.float32)
    a1 = _dotT(v_n, w1_ref[:, :])

    rrow = _iota((R, S), 0)
    scol40 = SEQ * _iota((R, S), 1)
    PsegT = ((rrow >= scol40) & (rrow < scol40 + SEQ)).astype(jnp.float32)
    a1rep = jnp.dot(PsegT, a1, preferred_element_type=jnp.float32)

    sig = jax.nn.sigmoid(a1rep + a2 + w1b_ref[:, :] + w2b_ref[:, :])
    alpha = jnp.sum(sig * qw_ref[:, :], axis=1, keepdims=True) + qb_ref[0, 0]

    s_g = jnp.dot(Pseg, alpha * fl, preferred_element_type=jnp.float32)

    vs = jnp.concatenate([v_n, s_g], axis=1)
    out = _dotT(vs, w3_ref[:, :]) + w3b_ref[:, :]
    out_ref[:, :, :] = out[:, None, :]


def kernel(hidden, W1_w, W1_b, W2_w, W2_b, q_w, q_b, W3_w, W3_b, sg_w, sg_b,
           edge_index, node_num, batch, sess_item_index, seq_lens):
    B = seq_lens.shape[0]
    grid = B // S
    sii = sess_item_index.astype(jnp.int32)
    rows = jnp.arange(TOT, dtype=jnp.int32)
    gidx = NPS * (rows // SEQ) + sii
    gidx = jnp.concatenate([gidx, jnp.zeros((BP - TOT,), jnp.int32)])

    sc_gather = functools.partial(
        pl.kernel,
        mesh=plsc.VectorSubcoreMesh(core_axis_name="c", subcore_axis_name="s"),
        out_type=jax.ShapeDtypeStruct((BP, D), jnp.float32),
        scratch_types=[
            pltpu.VMEM((CH,), jnp.int32),
            pltpu.VMEM((CH, D), jnp.float32),
            pltpu.SemaphoreType.DMA,
        ],
    )(_sc_gather_body)
    flat = sc_gather(hidden, gidx)

    out = pl.pallas_call(
        _pool_kernel,
        grid=(grid,),
        in_specs=[
            pl.BlockSpec((R, D), lambda g: (g, 0)),
            pl.BlockSpec((H, D), lambda g: (0, 0)),
            pl.BlockSpec((H, D), lambda g: (0, 0)),
            pl.BlockSpec((1, H), lambda g: (0, 0)),
            pl.BlockSpec((H, 2 * D), lambda g: (0, 0)),
            pl.BlockSpec((1, H), lambda g: (0, 0)),
            pl.BlockSpec((1, H), lambda g: (0, 0)),
            pl.BlockSpec((1, 1), lambda g: (0, 0)),
            pl.BlockSpec((1, H), lambda g: (0, 0)),
        ],
        out_specs=pl.BlockSpec((S, 1, H), lambda g: (g, 0, 0)),
        out_shape=jax.ShapeDtypeStruct((B, 1, H), jnp.float32),
        compiler_params=pltpu.CompilerParams(
            dimension_semantics=("parallel",)),
    )(flat, W1_w, W2_w, q_w, W3_w, W1_b.reshape(1, H),
      W2_b.reshape(1, H), q_b.reshape(1, 1), W3_b.reshape(1, H))
    return out.reshape(B, H)

# --- scband reference (transcript-rebuilt; emitter-appended) ---
"""Pipeline reference for scband-group-graph-68436008895084 (READ-ONLY COPY).

The authoritative reference and input builder live on the scoring server;
editing this copy changes nothing except your own understanding.
"""

import jax, jax.numpy as jnp
import numpy as np


def _linear(x, w, b):
    return x @ w.T + b


def _sgc_prop(x, edge_index, K):
    # PyG SGConv propagation: add self loops + symmetric GCN normalization, K hops
    N = x.shape[0]
    loop = jnp.arange(N, dtype=edge_index.dtype)
    src = jnp.concatenate([edge_index[0], loop])
    dst = jnp.concatenate([edge_index[1], loop])
    deg = jnp.zeros((N,), x.dtype).at[dst].add(1.0)
    dinv = jnp.where(deg > 0, 1.0 / jnp.sqrt(deg), 0.0)
    norm = dinv[src] * dinv[dst]
    for _ in range(K):
        x = jnp.zeros_like(x).at[dst].add(norm[:, None] * x[src])
    return x


def setup_inputs(seed: int = 0):
    key = jax.random.key(seed)
    ks = jax.random.split(key, 16)
    H = 32            # hidden_size
    D = 8 * H         # feature dim of `hidden` (W_1/W_2 expect 8*hidden_size)
    N = 10000         # total graph nodes
    E = 160000        # edges
    B = 500           # sessions
    NPS = 20          # nodes per session (node_num), sums to N
    SEQ = 40          # sequence length per session
    hidden = jax.random.normal(ks[0], (N, D), dtype=jnp.float32)
    edge_index = jax.random.randint(ks[1], (2, E), 0, N)
    node_num = jnp.full((B,), NPS, dtype=jnp.int32)
    batch = jnp.repeat(jnp.arange(B, dtype=jnp.int32), NPS)
    sess_item_index = jax.random.randint(ks[2], (B * SEQ,), 0, NPS)
    seq_lens = jnp.full((B,), SEQ, dtype=jnp.int32)
    s = 0.05
    W1_w = jax.random.normal(ks[3], (H, D), dtype=jnp.float32) * s
    W1_b = jnp.zeros((H,), jnp.float32)
    W2_w = jax.random.normal(ks[4], (H, D), dtype=jnp.float32) * s
    W2_b = jnp.zeros((H,), jnp.float32)
    q_w = jax.random.normal(ks[5], (1, H), dtype=jnp.float32) * s
    q_b = jnp.zeros((1,), jnp.float32)
    W3_w = jax.random.normal(ks[6], (H, 2 * D), dtype=jnp.float32) * s
    W3_b = jnp.zeros((H,), jnp.float32)
    sg_w = jax.random.normal(ks[7], (H, D), dtype=jnp.float32) * s
    sg_b = jnp.zeros((H,), jnp.float32)
    return {"hidden": hidden, "W1_w": W1_w, "W1_b": W1_b, "W2_w": W2_w, "W2_b": W2_b,
            "q_w": q_w, "q_b": q_b, "W3_w": W3_w, "W3_b": W3_b, "sg_w": sg_w, "sg_b": sg_b,
            "edge_index": edge_index, "node_num": node_num, "batch": batch,
            "sess_item_index": sess_item_index, "seq_lens": seq_lens}


def reference(hidden, W1_w, W1_b, W2_w, W2_b, q_w, q_b, W3_w, W3_b, sg_w, sg_b,
              edge_index, node_num, batch, sess_item_index, seq_lens):
    # `hidden - self.sgcn(hidden, edge_index)` : computed then discarded (original bug kept)
    _ = _linear(_sgc_prop(hidden, edge_index, 2), sg_w, sg_b)
    B = seq_lens.shape[0]
    total_seq = sess_item_index.shape[0]
    # rebuilt_sess: per-session gather of node embeddings by local item index
    node_cum = jnp.cumsum(node_num)
    offsets = jnp.concatenate([jnp.zeros((1,), node_cum.dtype), node_cum[:-1]])
    seq_cum = jnp.cumsum(seq_lens)
    sess_seg = jnp.searchsorted(seq_cum, jnp.arange(total_seq), side='right').astype(jnp.int32)
    global_idx = offsets[sess_seg] + sess_item_index
    flat = hidden[global_idx]                      # [total_seq, D] == torch.cat(sess_hidden)
    # get_h_group
    last_pos = seq_cum - 1
    v_n = flat[last_pos]                           # [B, D]
    v_n_repeat = v_n[sess_seg]                     # [total_seq, D]
    alpha = _linear(jax.nn.sigmoid(_linear(v_n_repeat, W1_w, W1_b) + _linear(flat, W2_w, W2_b)), q_w, q_b)
    s_g = jax.ops.segment_sum(alpha * flat, sess_seg, num_segments=B)
    h_s = _linear(jnp.concatenate([v_n, s_g], axis=1), W3_w, W3_b)
    return h_s

if __name__ == "__main__":
    import jax
    _d = setup_inputs()
    print(jax.jit(kernel)(*tuple(_d.values())))

</pallas_src>

<mosaic_0001>
#map = affine_map<(d0, d1) -> (0, 0)>
#map1 = affine_map<(d0, d1) -> (0)>
module attributes {stable_mosaic.version = 14 : i64} {
  func.func @_sc_gather_body(%arg0: i32, %arg1: i32, %arg2: memref<10000x256xf32, #tpu.memory_space<hbm>>, %arg3: memref<20480xi32, #tpu.memory_space<hbm>>, %arg4: memref<20480x256xf32, #tpu.memory_space<hbm>>, %arg5: memref<40xi32, #tpu.memory_space<vmem>>, %arg6: memref<40x256xf32, #tpu.memory_space<vmem>>, %arg7: memref<!tpu.dma_semaphore, #tpu.memory_space<semaphore_mem>>) attributes {dimension_semantics = [#tpu.dimension_semantics<core_parallel>, #tpu.dimension_semantics<subcore_parallel>], iteration_bounds = array<i64: 2, 16>, scalar_prefetch = 0 : i64, scratch_operands = 3 : i64, tpu.core_type = #tpu.core_type<sc_vector_subcore>, window_params = [{transform_indices = #map}, {transform_indices = #map1}, {transform_indices = #map}]} {
    %mul3A = arith.constant 2 : i32
    %mul3A_0 = arith.muli %arg1, %mul3A : i32
    %add3A = arith.addi %mul3A_0, %arg0 : i32
    %mul3A_1 = arith.constant 640 : i32
    %mul3A_2 = arith.muli %add3A, %mul3A_1 : i32
    %add3A_3 = arith.constant 0 : i32
    %add3A_4 = arith.addi %mul3A_2, %add3A_3 : i32
    "tpu.region"() ({
      %run_scoped3A = tpu.sem_alloc : memref<!tpu.dma_semaphore, #tpu.memory_space<semaphore_mem>>
      %dma_start3A_129 = tpu.memref_slice %arg3[%add3A_4] : memref<20480xi32, #tpu.memory_space<hbm>> -> memref<40xi32, #tpu.memory_space<hbm>>
      %dma_start3A_130 = tpu.memref_slice %arg3[%add3A_4] : memref<20480xi32, #tpu.memory_space<hbm>> -> memref<40xi32, #tpu.memory_space<hbm>>
      tpu.enqueue_dma source(%dma_start3A_130 : memref<40xi32, #tpu.memory_space<hbm>>) target(%arg5 : memref<40xi32, #tpu.memory_space<vmem>>) target_semaphore(%run_scoped3A : memref<!tpu.dma_semaphore, #tpu.memory_space<semaphore_mem>>)
      %dma_wait3A_131 = tpu.memref_slice %arg3[%add3A_4] : memref<20480xi32, #tpu.memory_space<hbm>> -> memref<40xi32, #tpu.memory_space<hbm>>
      %dma_wait3A_132 = tpu.memref_slice %arg3[%add3A_4] : memref<20480xi32, #tpu.memory_space<hbm>> -> memref<40xi32, #tpu.memory_space<hbm>>
      tpu.wait_dma2 semaphore(%run_scoped3A : memref<!tpu.dma_semaphore, #tpu.memory_space<semaphore_mem>>) src(%dma_wait3A_132 : memref<40xi32, #tpu.memory_space<hbm>>) dst(%arg5 : memref<40xi32, #tpu.memory_space<vmem>>)
      tpu.yield
    }) : () -> ()
    %dma_start3A = arith.constant 0 : i32
    %dma_start3A_5 = arith.constant 0 : i32
    %dma_start3A_6 = tpu.memref_slice %arg2[%dma_start3A, %dma_start3A_5] : memref<10000x256xf32, #tpu.memory_space<hbm>> -> memref<10000x256xf32, #tpu.memory_space<hbm>>
    tpu.enqueue_indirect_dma source(%dma_start3A_6 : memref<10000x256xf32, #tpu.memory_space<hbm>>) target(%arg6 : memref<40x256xf32, #tpu.memory_space<vmem>>) offsets(%arg5 : memref<40xi32, #tpu.memory_space<vmem>>) semaphore(%arg7 : memref<!tpu.dma_semaphore, #tpu.memory_space<semaphore_mem>>)
    %dma_wait3A = arith.constant 0 : i32
    %dma_wait3A_7 = arith.constant 0 : i32
    %dma_wait3A_8 = tpu.memref_slice %arg2[%dma_wait3A, %dma_wait3A_7] : memref<10000x256xf32, #tpu.memory_space<hbm>> -> memref<10000x256xf32, #tpu.memory_space<hbm>>
    tpu.wait_indirect_dma semaphore(%arg7 : memref<!tpu.dma_semaphore, #tpu.memory_space<semaphore_mem>>) src(%dma_wait3A_8 : memref<10000x256xf32, #tpu.memory_space<hbm>>) dst(%arg6 : memref<40x256xf32, #tpu.memory_space<vmem>>)
    "tpu.region"() ({
      %run_scoped3A = tpu.sem_alloc : memref<!tpu.dma_semaphore, #tpu.memory_space<semaphore_mem>>
      %dma_start3A_129 = arith.constant 0 : i32
      %dma_start3A_130 = tpu.memref_slice %arg4[%add3A_4, %dma_start3A_129] : memref<20480x256xf32, #tpu.memory_space<hbm>> -> memref<40x256xf32, #tpu.memory_space<hbm>>
      %dma_start3A_131 = arith.constant 0 : i32
      %dma_start3A_132 = tpu.memref_slice %arg4[%add3A_4, %dma_start3A_131] : memref<20480x256xf32, #tpu.memory_space<hbm>> -> memref<40x256xf32, #tpu.memory_space<hbm>>
      tpu.enqueue_dma source(%arg6 : memref<40x256xf32, #tpu.memory_space<vmem>>) target(%dma_start3A_132 : memref<40x256xf32, #tpu.memory_space<hbm>>) target_semaphore(%run_scoped3A : memref<!tpu.dma_semaphore, #tpu.memory_space<semaphore_mem>>)
      %dma_wait3A_133 = arith.constant 0 : i32
      %dma_wait3A_134 = tpu.memref_slice %arg4[%add3A_4, %dma_wait3A_133] : memref<20480x256xf32, #tpu.memory_space<hbm>> -> memref<40x256xf32, #tpu.memory_space<hbm>>
      %dma_wait3A_135 = arith.constant 0 : i32
      %dma_wait3A_136 = tpu.memref_slice %arg4[%add3A_4, %dma_wait3A_135] : memref<20480x256xf32, #tpu.memory_space<hbm>> -> memref<40x256xf32, #tpu.memory_space<hbm>>
      tpu.wait_dma2 semaphore(%run_scoped3A : memref<!tpu.dma_semaphore, #tpu.memory_space<semaphore_mem>>) src(%arg6 : memref<40x256xf32, #tpu.memory_space<vmem>>) dst(%dma_wait3A_136 : memref<40x256xf32, #tpu.memory_space<hbm>>)
      tpu.yield
    }) : () -> ()
    %add3A_9 = arith.constant 40 : i32
    %add3A_10 = arith.addi %mul3A_2, %add3A_9 : i32
    "tpu.region"() ({
      %run_scoped3A = tpu.sem_alloc : memref<!tpu.dma_semaphore, #tpu.memory_space<semaphore_mem>>
      %dma_start3A_129 = tpu.memref_slice %arg3[%add3A_10] : memref<20480xi32, #tpu.memory_space<hbm>> -> memref<40xi32, #tpu.memory_space<hbm>>
      %dma_start3A_130 = tpu.memref_slice %arg3[%add3A_10] : memref<20480xi32, #tpu.memory_space<hbm>> -> memref<40xi32, #tpu.memory_space<hbm>>
      tpu.enqueue_dma source(%dma_start3A_130 : memref<40xi32, #tpu.memory_space<hbm>>) target(%arg5 : memref<40xi32, #tpu.memory_space<vmem>>) target_semaphore(%run_scoped3A : memref<!tpu.dma_semaphore, #tpu.memory_space<semaphore_mem>>)
      %dma_wait3A_131 = tpu.memref_slice %arg3[%add3A_10] : memref<20480xi32, #tpu.memory_space<hbm>> -> memref<40xi32, #tpu.memory_space<hbm>>
      %dma_wait3A_132 = tpu.memref_slice %arg3[%add3A_10] : memref<20480xi32, #tpu.memory_space<hbm>> -> memref<40xi32, #tpu.memory_space<hbm>>
      tpu.wait_dma2 semaphore(%run_scoped3A : memref<!tpu.dma_semaphore, #tpu.memory_space<semaphore_mem>>) src(%dma_wait3A_132 : memref<40xi32, #tpu.memory_space<hbm>>) dst(%arg5 : memref<40xi32, #tpu.memory_space<vmem>>)
      tpu.yield
    }) : () -> ()
    %dma_start3A_11 = arith.constant 0 : i32
    %dma_start3A_12 = arith.constant 0 : i32
    %dma_start3A_13 = tpu.memref_slice %arg2[%dma_start3A_11, %dma_start3A_12] : memref<10000x256xf32, #tpu.memory_space<hbm>> -> memref<10000x256xf32, #tpu.memory_space<hbm>>
    tpu.enqueue_indirect_dma source(%dma_start3A_13 : memref<10000x256xf32, #tpu.memory_space<hbm>>) target(%arg6 : memref<40x256xf32, #tpu.memory_space<vmem>>) offsets(%arg5 : memref<40xi32, #tpu.memory_space<vmem>>) semaphore(%arg7 : memref<!tpu.dma_semaphore, #tpu.memory_space<semaphore_mem>>)
    %dma_wait3A_14 = arith.constant 0 : i32
    %dma_wait3A_15 = arith.constant 0 : i32
    %dma_wait3A_16 = tpu.memref_slice %arg2[%dma_wait3A_14, %dma_wait3A_15] : memref<10000x256xf32, #tpu.memory_space<hbm>> -> memref<10000x256xf32, #tpu.memory_space<hbm>>
    tpu.wait_indirect_dma semaphore(%arg7 : memref<!tpu.dma_semaphore, #tpu.memory_space<semaphore_mem>>) src(%dma_wait3A_16 : memref<10000x256xf32, #tpu.memory_space<hbm>>) dst(%arg6 : memref<40x256xf32, #tpu.memory_space<vmem>>)
    "tpu.region"() ({
      %run_scoped3A = tpu.sem_alloc : memref<!tpu.dma_semaphore, #tpu.memory_space<semaphore_mem>>
      %dma_start3A_129 = arith.constant 0 : i32
      %dma_start3A_130 = tpu.memref_slice %arg4[%add3A_10, %dma_start3A_129] : memref<20480x256xf32, #tpu.memory_space<hbm>> -> memref<40x256xf32, #tpu.memory_space<hbm>>
      %dma_start3A_131 = arith.constant 0 : i32
      %dma_start3A_132 = tpu.memref_slice %arg4[%add3A_10, %dma_start3A_131] : memref<20480x256xf32, #tpu.memory_space<hbm>> -> memref<40x256xf32, #tpu.memory_space<hbm>>
      tpu.enqueue_dma source(%arg6 : memref<40x256xf32, #tpu.memory_space<vmem>>) target(%dma_start3A_132 : memref<40x256xf32, #tpu.memory_space<hbm>>) target_semaphore(%run_scoped3A : memref<!tpu.dma_semaphore, #tpu.memory_space<semaphore_mem>>)
      %dma_wait3A_133 = arith.constant 0 : i32
      %dma_wait3A_134 = tpu.memref_slice %arg4[%add3A_10, %dma_wait3A_133] : memref<20480x256xf32, #tpu.memory_space<hbm>> -> memref<40x256xf32, #tpu.memory_space<hbm>>
      %dma_wait3A_135 = arith.constant 0 : i32
      %dma_wait3A_136 = tpu.memref_slice %arg4[%add3A_10, %dma_wait3A_135] : memref<20480x256xf32, #tpu.memory_space<hbm>> -> memref<40x256xf32, #tpu.memory_space<hbm>>
      tpu.wait_dma2 semaphore(%run_scoped3A : memref<!tpu.dma_semaphore, #tpu.memory_space<semaphore_mem>>) src(%arg6 : memref<40x256xf32, #tpu.memory_space<vmem>>) dst(%dma_wait3A_136 : memref<40x256xf32, #tpu.memory_space<hbm>>)
      tpu.yield
    }) : () -> ()
    %add3A_17 = arith.constant 80 : i32
    %add3A_18 = arith.addi %mul3A_2, %add3A_17 : i32
    "tpu.region"() ({
      %run_scoped3A = tpu.sem_alloc : memref<!tpu.dma_semaphore, #tpu.memory_space<semaphore_mem>>
      %dma_start3A_129 = tpu.memref_slice %arg3[%add3A_18] : memref<20480xi32, #tpu.memory_space<hbm>> -> memref<40xi32, #tpu.memory_space<hbm>>
      %dma_start3A_130 = tpu.memref_slice %arg3[%add3A_18] : memref<20480xi32, #tpu.memory_space<hbm>> -> memref<40xi32, #tpu.memory_space<hbm>>
      tpu.enqueue_dma source(%dma_start3A_130 : memref<40xi32, #tpu.memory_space<hbm>>) target(%arg5 : memref<40xi32, #tpu.memory_space<vmem>>) target_semaphore(%run_scoped3A : memref<!tpu.dma_semaphore, #tpu.memory_space<semaphore_mem>>)
      %dma_wait3A_131 = tpu.memref_slice %arg3[%add3A_18] : memref<20480xi32, #tpu.memory_space<hbm>> -> memref<40xi32, #tpu.memory_space<hbm>>
      %dma_wait3A_132 = tpu.memref_slice %arg3[%add3A_18] : memref<20480xi32, #tpu.memory_space<hbm>> -> memref<40xi32, #tpu.memory_space<hbm>>
      tpu.wait_dma2 semaphore(%run_scoped3A : memref<!tpu.dma_semaphore, #tpu.memory_space<semaphore_mem>>) src(%dma_wait3A_132 : memref<40xi32, #tpu.memory_space<hbm>>) dst(%arg5 : memref<40xi32, #tpu.memory_space<vmem>>)
      tpu.yield
    }) : () -> ()
    %dma_start3A_19 = arith.constant 0 : i32
    %dma_start3A_20 = arith.constant 0 : i32
    %dma_start3A_21 = tpu.memref_slice %arg2[%dma_start3A_19, %dma_start3A_20] : memref<10000x256xf32, #tpu.memory_space<hbm>> -> memref<10000x256xf32, #tpu.memory_space<hbm>>
    tpu.enqueue_indirect_dma source(%dma_start3A_21 : memref<10000x256xf32, #tpu.memory_space<hbm>>) target(%arg6 : memref<40x256xf32, #tpu.memory_space<vmem>>) offsets(%arg5 : memref<40xi32, #tpu.memory_space<vmem>>) semaphore(%arg7 : memref<!tpu.dma_semaphore, #tpu.memory_space<semaphore_mem>>)
    %dma_wait3A_22 = arith.constant 0 : i32
    %dma_wait3A_23 = arith.constant 0 : i32
    %dma_wait3A_24 = tpu.memref_slice %arg2[%dma_wait3A_22, %dma_wait3A_23] : memref<10000x256xf32, #tpu.memory_space<hbm>> -> memref<10000x256xf32, #tpu.memory_space<hbm>>
    tpu.wait_indirect_dma semaphore(%arg7 : memref<!tpu.dma_semaphore, #tpu.memory_space<semaphore_mem>>) src(%dma_wait3A_24 : memref<10000x256xf32, #tpu.memory_space<hbm>>) dst(%arg6 : memref<40x256xf32, #tpu.memory_space<vmem>>)
    "tpu.region"() ({
      %run_scoped3A = tpu.sem_alloc : memref<!tpu.dma_semaphore, #tpu.memory_space<semaphore_mem>>
      %dma_start3A_129 = arith.constant 0 : i32
      %dma_start3A_130 = tpu.memref_slice %arg4[%add3A_18, %dma_start3A_129] : memref<20480x256xf32, #tpu.memory_space<hbm>> -> memref<40x256xf32, #tpu.memory_space<hbm>>
      %dma_start3A_131 = arith.constant 0 : i32
      %dma_start3A_132 = tpu.memref_slice %arg4[%add3A_18, %dma_start3A_131] : memref<20480x256xf32, #tpu.memory_space<hbm>> -> memref<40x256xf32, #tpu.memory_space<hbm>>
      tpu.enqueue_dma source(%arg6 : memref<40x256xf32, #tpu.memory_space<vmem>>) target(%dma_start3A_132 : memref<40x256xf32, #tpu.memory_space<hbm>>) target_semaphore(%run_scoped3A : memref<!tpu.dma_semaphore, #tpu.memory_space<semaphore_mem>>)
      %dma_wait3A_133 = arith.constant 0 : i32
      %dma_wait3A_134 = tpu.memref_slice %arg4[%add3A_18, %dma_wait3A_133] : memref<20480x256xf32, #tpu.memory_space<hbm>> -> memref<40x256xf32, #tpu.memory_space<hbm>>
      %dma_wait3A_135 = arith.constant 0 : i32
      %dma_wait3A_136 = tpu.memref_slice %arg4[%add3A_18, %dma_wait3A_135] : memref<20480x256xf32, #tpu.memory_space<hbm>> -> memref<40x256xf32, #tpu.memory_space<hbm>>
      tpu.wait_dma2 semaphore(%run_scoped3A : memref<!tpu.dma_semaphore, #tpu.memory_space<semaphore_mem>>) src(%arg6 : memref<40x256xf32, #tpu.memory_space<vmem>>) dst(%dma_wait3A_136 : memref<40x256xf32, #tpu.memory_space<hbm>>)
      tpu.yield
    }) : () -> ()
    %add3A_25 = arith.constant 120 : i32
    %add3A_26 = arith.addi %mul3A_2, %add3A_25 : i32
    "tpu.region"() ({
      %run_scoped3A = tpu.sem_alloc : memref<!tpu.dma_semaphore, #tpu.memory_space<semaphore_mem>>
      %dma_start3A_129 = tpu.memref_slice %arg3[%add3A_26] : memref<20480xi32, #tpu.memory_space<hbm>> -> memref<40xi32, #tpu.memory_space<hbm>>
      %dma_start3A_130 = tpu.memref_slice %arg3[%add3A_26] : memref<20480xi32, #tpu.memory_space<hbm>> -> memref<40xi32, #tpu.memory_space<hbm>>
      tpu.enqueue_dma source(%dma_start3A_130 : memref<40xi32, #tpu.memory_space<hbm>>) target(%arg5 : memref<40xi32, #tpu.memory_space<vmem>>) target_semaphore(%run_scoped3A : memref<!tpu.dma_semaphore, #tpu.memory_space<semaphore_mem>>)
      %dma_wait3A_131 = tpu.memref_slice %arg3[%add3A_26] : memref<20480xi32, #tpu.memory_space<hbm>> -> memref<40xi32, #tpu.memory_space<hbm>>
      %dma_wait3A_132 = tpu.memref_slice %arg3[%add3A_26] : memref<20480xi32, #tpu.memory_space<hbm>> -> memref<40xi32, #tpu.memory_space<hbm>>
      tpu.wait_dma2 semaphore(%run_scoped3A : memref<!tpu.dma_semaphore, #tpu.memory_space<semaphore_mem>>) src(%dma_wait3A_132 : memref<40xi32, #tpu.memory_space<hbm>>) dst(%arg5 : memref<40xi32, #tpu.memory_space<vmem>>)
      tpu.yield
    }) : () -> ()
    %dma_start3A_27 = arith.constant 0 : i32
    %dma_start3A_28 = arith.constant 0 : i32
    %dma_start3A_29 = tpu.memref_slice %arg2[%dma_start3A_27, %dma_start3A_28] : memref<10000x256xf32, #tpu.memory_space<hbm>> -> memref<10000x256xf32, #tpu.memory_space<hbm>>
    tpu.enqueue_indirect_dma source(%dma_start3A_29 : memref<10000x256xf32, #tpu.memory_space<hbm>>) target(%arg6 : memref<40x256xf32, #tpu.memory_space<vmem>>) offsets(%arg5 : memref<40xi32, #tpu.memory_space<vmem>>) semaphore(%arg7 : memref<!tpu.dma_semaphore, #tpu.memory_space<semaphore_mem>>)
    %dma_wait3A_30 = arith.constant 0 : i32
    %dma_wait3A_31 = arith.constant 0 : i32
    %dma_wait3A_32 = tpu.memref_slice %arg2[%dma_wait3A_30, %dma_wait3A_31] : memref<10000x256xf32, #tpu.memory_space<hbm>> -> memref<10000x256xf32, #tpu.memory_space<hbm>>
    tpu.wait_indirect_dma semaphore(%arg7 : memref<!tpu.dma_semaphore, #tpu.memory_space<semaphore_mem>>) src(%dma_wait3A_32 : memref<10000x256xf32, #tpu.memory_space<hbm>>) dst(%arg6 : memref<40x256xf32, #tpu.memory_space<vmem>>)
    "tpu.region"() ({
      %run_scoped3A = tpu.sem_alloc : memref<!tpu.dma_semaphore, #tpu.memory_space<semaphore_mem>>
      %dma_start3A_129 = arith.constant 0 : i32
      %dma_start3A_130 = tpu.memref_slice %arg4[%add3A_26, %dma_start3A_129] : memref<20480x256xf32, #tpu.memory_space<hbm>> -> memref<40x256xf32, #tpu.memory_space<hbm>>
      %dma_start3A_131 = arith.constant 0 : i32
      %dma_start3A_132 = tpu.memref_slice %arg4[%add3A_26, %dma_start3A_131] : memref<20480x256xf32, #tpu.memory_space<hbm>> -> memref<40x256xf32, #tpu.memory_space<hbm>>
      tpu.enqueue_dma source(%arg6 : memref<40x256xf32, #tpu.memory_space<vmem>>) target(%dma_start3A_132 : memref<40x256xf32, #tpu.memory_space<hbm>>) target_semaphore(%run_scoped3A : memref<!tpu.dma_semaphore, #tpu.memory_space<semaphore_mem>>)
      %dma_wait3A_133 = arith.constant 0 : i32
      %dma_wait3A_134 = tpu.memref_slice %arg4[%add3A_26, %dma_wait3A_133] : memref<20480x256xf32, #tpu.memory_space<hbm>> -> memref<40x256xf32, #tpu.memory_space<hbm>>
      %dma_wait3A_135 = arith.constant 0 : i32
      %dma_wait3A_136 = tpu.memref_slice %arg4[%add3A_26, %dma_wait3A_135] : memref<20480x256xf32, #tpu.memory_space<hbm>> -> memref<40x256xf32, #tpu.memory_space<hbm>>
      tpu.wait_dma2 semaphore(%run_scoped3A : memref<!tpu.dma_semaphore, #tpu.memory_space<semaphore_mem>>) src(%arg6 : memref<40x256xf32, #tpu.memory_space<vmem>>) dst(%dma_wait3A_136 : memref<40x256xf32, #tpu.memory_space<hbm>>)
      tpu.yield
    }) : () -> ()
    %add3A_33 = arith.constant 160 : i32
    %add3A_34 = arith.addi %mul3A_2, %add3A_33 : i32
    "tpu.region"() ({
      %run_scoped3A = tpu.sem_alloc : memref<!tpu.dma_semaphore, #tpu.memory_space<semaphore_mem>>
      %dma_start3A_129 = tpu.memref_slice %arg3[%add3A_34] : memref<20480xi32, #tpu.memory_space<hbm>> -> memref<40xi32, #tpu.memory_space<hbm>>
      %dma_start3A_130 = tpu.memref_slice %arg3[%add3A_34] : memref<20480xi32, #tpu.memory_space<hbm>> -> memref<40xi32, #tpu.memory_space<hbm>>
      tpu.enqueue_dma source(%dma_start3A_130 : memref<40xi32, #tpu.memory_space<hbm>>) target(%arg5 : memref<40xi32, #tpu.memory_space<vmem>>) target_semaphore(%run_scoped3A : memref<!tpu.dma_semaphore, #tpu.memory_space<semaphore_mem>>)
      %dma_wait3A_131 = tpu.memref_slice %arg3[%add3A_34] : memref<20480xi32, #tpu.memory_space<hbm>> -> memref<40xi32, #tpu.memory_space<hbm>>
      %dma_wait3A_132 = tpu.memref_slice %arg3[%add3A_34] : memref<20480xi32, #tpu.memory_space<hbm>> -> memref<40xi32, #tpu.memory_space<hbm>>
      tpu.wait_dma2 semaphore(%run_scoped3A : memref<!tpu.dma_semaphore, #tpu.memory_space<semaphore_mem>>) src(%dma_wait3A_132 : memref<40xi32, #tpu.memory_space<hbm>>) dst(%arg5 : memref<40xi32, #tpu.memory_space<vmem>>)
      tpu.yield
    }) : () -> ()
    %dma_start3A_35 = arith.constant 0 : i32
    %dma_start3A_36 = arith.constant 0 : i32
    %dma_start3A_37 = tpu.memref_slice %arg2[%dma_start3A_35, %dma_start3A_36] : memref<10000x256xf32, #tpu.memory_space<hbm>> -> memref<10000x256xf32, #tpu.memory_space<hbm>>
    tpu.enqueue_indirect_dma source(%dma_start3A_37 : memref<10000x256xf32, #tpu.memory_space<hbm>>) target(%arg6 : memref<40x256xf32, #tpu.memory_space<vmem>>) offsets(%arg5 : memref<40xi32, #tpu.memory_space<vmem>>) semaphore(%arg7 : memref<!tpu.dma_semaphore, #tpu.memory_space<semaphore_mem>>)
    %dma_wait3A_38 = arith.constant 0 : i32
    %dma_wait3A_39 = arith.constant 0 : i32
    %dma_wait3A_40 = tpu.memref_slice %arg2[%dma_wait3A_38, %dma_wait3A_39] : memref<10000x256xf32, #tpu.memory_space<hbm>> -> memref<10000x256xf32, #tpu.memory_space<hbm>>
    tpu.wait_indirect_dma semaphore(%arg7 : memref<!tpu.dma_semaphore, #tpu.memory_space<semaphore_mem>>) src(%dma_wait3A_40 : memref<10000x256xf32, #tpu.memory_space<hbm>>) dst(%arg6 : memref<40x256xf32, #tpu.memory_space<vmem>>)
    "tpu.region"() ({
      %run_scoped3A = tpu.sem_alloc : memref<!tpu.dma_semaphore, #tpu.memory_space<semaphore_mem>>
      %dma_start3A_129 = arith.constant 0 : i32
      %dma_start3A_130 = tpu.memref_slice %arg4[%add3A_34, %dma_start3A_129] : memref<20480x256xf32, #tpu.memory_space<hbm>> -> memref<40x256xf32, #tpu.memory_space<hbm>>
      %dma_start3A_131 = arith.constant 0 : i32
      %dma_start3A_132 = tpu.memref_slice %arg4[%add3A_34, %dma_start3A_131] : memref<20480x256xf32, #tpu.memory_space<hbm>> -> memref<40x256xf32, #tpu.memory_space<hbm>>
      tpu.enqueue_dma source(%arg6 : memref<40x256xf32, #tpu.memory_space<vmem>>) target(%dma_start3A_132 : memref<40x256xf32, #tpu.memory_space<hbm>>) target_semaphore(%run_scoped3A : memref<!tpu.dma_semaphore, #tpu.memory_space<semaphore_mem>>)
      %dma_wait3A_133 = arith.constant 0 : i32
      %dma_wait3A_134 = tpu.memref_slice %arg4[%add3A_34, %dma_wait3A_133] : memref<20480x256xf32, #tpu.memory_space<hbm>> -> memref<40x256xf32, #tpu.memory_space<hbm>>
      %dma_wait3A_135 = arith.constant 0 : i32
      %dma_wait3A_136 = tpu.memref_slice %arg4[%add3A_34, %dma_wait3A_135] : memref<20480x256xf32, #tpu.memory_space<hbm>> -> memref<40x256xf32, #tpu.memory_space<hbm>>
      tpu.wait_dma2 semaphore(%run_scoped3A : memref<!tpu.dma_semaphore, #tpu.memory_space<semaphore_mem>>) src(%arg6 : memref<40x256xf32, #tpu.memory_space<vmem>>) dst(%dma_wait3A_136 : memref<40x256xf32, #tpu.memory_space<hbm>>)
      tpu.yield
    }) : () -> ()
    %add3A_41 = arith.constant 200 : i32
    %add3A_42 = arith.addi %mul3A_2, %add3A_41 : i32
    "tpu.region"() ({
      %run_scoped3A = tpu.sem_alloc : memref<!tpu.dma_semaphore, #tpu.memory_space<semaphore_mem>>
      %dma_start3A_129 = tpu.memref_slice %arg3[%add3A_42] : memref<20480xi32, #tpu.memory_space<hbm>> -> memref<40xi32, #tpu.memory_space<hbm>>
      %dma_start3A_130 = tpu.memref_slice %arg3[%add3A_42] : memref<20480xi32, #tpu.memory_space<hbm>> -> memref<40xi32, #tpu.memory_space<hbm>>
      tpu.enqueue_dma source(%dma_start3A_130 : memref<40xi32, #tpu.memory_space<hbm>>) target(%arg5 : memref<40xi32, #tpu.memory_space<vmem>>) target_semaphore(%run_scoped3A : memref<!tpu.dma_semaphore, #tpu.memory_space<semaphore_mem>>)
      %dma_wait3A_131 = tpu.memref_slice %arg3[%add3A_42] : memref<20480xi32, #tpu.memory_space<hbm>> -> memref<40xi32, #tpu.memory_space<hbm>>
      %dma_wait3A_132 = tpu.memref_slice %arg3[%add3A_42] : memref<20480xi32, #tpu.memory_space<hbm>> -> memref<40xi32, #tpu.memory_space<hbm>>
      tpu.wait_dma2 semaphore(%run_scoped3A : memref<!tpu.dma_semaphore, #tpu.memory_space<semaphore_mem>>) src(%dma_wait3A_132 : memref<40xi32, #tpu.memory_space<hbm>>) dst(%arg5 : memref<40xi32, #tpu.memory_space<vmem>>)
      tpu.yield
    }) : () -> ()
    %dma_start3A_43 = arith.constant 0 : i32
    %dma_start3A_44 = arith.constant 0 : i32
    %dma_start3A_45 = tpu.memref_slice %arg2[%dma_start3A_43, %dma_start3A_44] : memref<10000x256xf32, #tpu.memory_space<hbm>> -> memref<10000x256xf32, #tpu.memory_space<hbm>>
    tpu.enqueue_indirect_dma source(%dma_start3A_45 : memref<10000x256xf32, #tpu.memory_space<hbm>>) target(%arg6 : memref<40x256xf32, #tpu.memory_space<vmem>>) offsets(%arg5 : memref<40xi32, #tpu.memory_space<vmem>>) semaphore(%arg7 : memref<!tpu.dma_semaphore, #tpu.memory_space<semaphore_mem>>)
    %dma_wait3A_46 = arith.constant 0 : i32
    %dma_wait3A_47 = arith.constant 0 : i32
    %dma_wait3A_48 = tpu.memref_slice %arg2[%dma_wait3A_46, %dma_wait3A_47] : memref<10000x256xf32, #tpu.memory_space<hbm>> -> memref<10000x256xf32, #tpu.memory_space<hbm>>
    tpu.wait_indirect_dma semaphore(%arg7 : memref<!tpu.dma_semaphore, #tpu.memory_space<semaphore_mem>>) src(%dma_wait3A_48 : memref<10000x256xf32, #tpu.memory_space<hbm>>) dst(%arg6 : memref<40x256xf32, #tpu.memory_space<vmem>>)
    "tpu.region"() ({
      %run_scoped3A = tpu.sem_alloc : memref<!tpu.dma_semaphore, #tpu.memory_space<semaphore_mem>>
      %dma_start3A_129 = arith.constant 0 : i32
      %dma_start3A_130 = tpu.memref_slice %arg4[%add3A_42, %dma_start3A_129] : memref<20480x256xf32, #tpu.memory_space<hbm>> -> memref<40x256xf32, #tpu.memory_space<hbm>>
      %dma_start3A_131 = arith.constant 0 : i32
      %dma_start3A_132 = tpu.memref_slice %arg4[%add3A_42, %dma_start3A_131] : memref<20480x256xf32, #tpu.memory_space<hbm>> -> memref<40x256xf32, #tpu.memory_space<hbm>>
      tpu.enqueue_dma source(%arg6 : memref<40x256xf32, #tpu.memory_space<vmem>>) target(%dma_start3A_132 : memref<40x256xf32, #tpu.memory_space<hbm>>) target_semaphore(%run_scoped3A : memref<!tpu.dma_semaphore, #tpu.memory_space<semaphore_mem>>)
      %dma_wait3A_133 = arith.constant 0 : i32
      %dma_wait3A_134 = tpu.memref_slice %arg4[%add3A_42, %dma_wait3A_133] : memref<20480x256xf32, #tpu.memory_space<hbm>> -> memref<40x256xf32, #tpu.memory_space<hbm>>
      %dma_wait3A_135 = arith.constant 0 : i32
      %dma_wait3A_136 = tpu.memref_slice %arg4[%add3A_42, %dma_wait3A_135] : memref<20480x256xf32, #tpu.memory_space<hbm>> -> memref<40x256xf32, #tpu.memory_space<hbm>>
      tpu.wait_dma2 semaphore(%run_scoped3A : memref<!tpu.dma_semaphore, #tpu.memory_space<semaphore_mem>>) src(%arg6 : memref<40x256xf32, #tpu.memory_space<vmem>>) dst(%dma_wait3A_136 : memref<40x256xf32, #tpu.memory_space<hbm>>)
      tpu.yield
    }) : () -> ()
    %add3A_49 = arith.constant 240 : i32
    %add3A_50 = arith.addi %mul3A_2, %add3A_49 : i32
    "tpu.region"() ({
      %run_scoped3A = tpu.sem_alloc : memref<!tpu.dma_semaphore, #tpu.memory_space<semaphore_mem>>
      %dma_start3A_129 = tpu.memref_slice %arg3[%add3A_50] : memref<20480xi32, #tpu.memory_space<hbm>> -> memref<40xi32, #tpu.memory_space<hbm>>
      %dma_start3A_130 = tpu.memref_slice %arg3[%add3A_50] : memref<20480xi32, #tpu.memory_space<hbm>> -> memref<40xi32, #tpu.memory_space<hbm>>
      tpu.enqueue_dma source(%dma_start3A_130 : memref<40xi32, #tpu.memory_space<hbm>>) target(%arg5 : memref<40xi32, #tpu.memory_space<vmem>>) target_semaphore(%run_scoped3A : memref<!tpu.dma_semaphore, #tpu.memory_space<semaphore_mem>>)
      %dma_wait3A_131 = tpu.memref_slice %arg3[%add3A_50] : memref<20480xi32, #tpu.memory_space<hbm>> -> memref<40xi32, #tpu.memory_space<hbm>>
      %dma_wait3A_132 = tpu.memref_slice %arg3[%add3A_50] : memref<20480xi32, #tpu.memory_space<hbm>> -> memref<40xi32, #tpu.memory_space<hbm>>
      tpu.wait_dma2 semaphore(%run_scoped3A : memref<!tpu.dma_semaphore, #tpu.memory_space<semaphore_mem>>) src(%dma_wait3A_132 : memref<40xi32, #tpu.memory_space<hbm>>) dst(%arg5 : memref<40xi32, #tpu.memory_space<vmem>>)
      tpu.yield
    }) : () -> ()
    %dma_start3A_51 = arith.constant 0 : i32
    %dma_start3A_52 = arith.constant 0 : i32
    %dma_start3A_53 = tpu.memref_slice %arg2[%dma_start3A_51, %dma_start3A_52] : memref<10000x256xf32, #tpu.memory_space<hbm>> -> memref<10000x256xf32, #tpu.memory_space<hbm>>
    tpu.enqueue_indirect_dma source(%dma_start3A_53 : memref<10000x256xf32, #tpu.memory_space<hbm>>) target(%arg6 : memref<40x256xf32, #tpu.memory_space<vmem>>) offsets(%arg5 : memref<40xi32, #tpu.memory_space<vmem>>) semaphore(%arg7 : memref<!tpu.dma_semaphore, #tpu.memory_space<semaphore_mem>>)
    %dma_wait3A_54 = arith.constant 0 : i32
    %dma_wait3A_55 = arith.constant 0 : i32
    %dma_wait3A_56 = tpu.memref_slice %arg2[%dma_wait3A_54, %dma_wait3A_55] : memref<10000x256xf32, #tpu.memory_space<hbm>> -> memref<10000x256xf32, #tpu.memory_space<hbm>>
    tpu.wait_indirect_dma semaphore(%arg7 : memref<!tpu.dma_semaphore, #tpu.memory_space<semaphore_mem>>) src(%dma_wait3A_56 : memref<10000x256xf32, #tpu.memory_space<hbm>>) dst(%arg6 : memref<40x256xf32, #tpu.memory_space<vmem>>)
    "tpu.region"() ({
      %run_scoped3A = tpu.sem_alloc : memref<!tpu.dma_semaphore, #tpu.memory_space<semaphore_mem>>
      %dma_start3A_129 = arith.constant 0 : i32
      %dma_start3A_130 = tpu.memref_slice %arg4[%add3A_50, %dma_start3A_129] : memref<20480x256xf32, #tpu.memory_space<hbm>> -> memref<40x256xf32, #tpu.memory_space<hbm>>
      %dma_start3A_131 = arith.constant 0 : i32
      %dma_start3A_132 = tpu.memref_slice %arg4[%add3A_50, %dma_start3A_131] : memref<20480x256xf32, #tpu.memory_space<hbm>> -> memref<40x256xf32, #tpu.memory_space<hbm>>
      tpu.enqueue_dma source(%arg6 : memref<40x256xf32, #tpu.memory_space<vmem>>) target(%dma_start3A_132 : memref<40x256xf32, #tpu.memory_space<hbm>>) target_semaphore(%run_scoped3A : memref<!tpu.dma_semaphore, #tpu.memory_space<semaphore_mem>>)
      %dma_wait3A_133 = arith.constant 0 : i32
      %dma_wait3A_134 = tpu.memref_slice %arg4[%add3A_50, %dma_wait3A_133] : memref<20480x256xf32, #tpu.memory_space<hbm>> -> memref<40x256xf32, #tpu.memory_space<hbm>>
      %dma_wait3A_135 = arith.constant 0 : i32
      %dma_wait3A_136 = tpu.memref_slice %arg4[%add3A_50, %dma_wait3A_135] : memref<20480x256xf32, #tpu.memory_space<hbm>> -> memref<40x256xf32, #tpu.memory_space<hbm>>
      tpu.wait_dma2 semaphore(%run_scoped3A : memref<!tpu.dma_semaphore, #tpu.memory_space<semaphore_mem>>) src(%arg6 : memref<40x256xf32, #tpu.memory_space<vmem>>) dst(%dma_wait3A_136 : memref<40x256xf32, #tpu.memory_space<hbm>>)
      tpu.yield
    }) : () -> ()
    %add3A_57 = arith.constant 280 : i32
    %add3A_58 = arith.addi %mul3A_2, %add3A_57 : i32
    "tpu.region"() ({
      %run_scoped3A = tpu.sem_alloc : memref<!tpu.dma_semaphore, #tpu.memory_space<semaphore_mem>>
      %dma_start3A_129 = tpu.memref_slice %arg3[%add3A_58] : memref<20480xi32, #tpu.memory_space<hbm>> -> memref<40xi32, #tpu.memory_space<hbm>>
      %dma_start3A_130 = tpu.memref_slice %arg3[%add3A_58] : memref<20480xi32, #tpu.memory_space<hbm>> -> memref<40xi32, #tpu.memory_space<hbm>>
      tpu.enqueue_dma source(%dma_start3A_130 : memref<40xi32, #tpu.memory_space<hbm>>) target(%arg5 : memref<40xi32, #tpu.memory_space<vmem>>) target_semaphore(%run_scoped3A : memref<!tpu.dma_semaphore, #tpu.memory_space<semaphore_mem>>)
      %dma_wait3A_131 = tpu.memref_slice %arg3[%add3A_58] : memref<20480xi32, #tpu.memory_space<hbm>> -> memref<40xi32, #tpu.memory_space<hbm>>
      %dma_wait3A_132 = tpu.memref_slice %arg3[%add3A_58] : memref<20480xi32, #tpu.memory_space<hbm>> -> memref<40xi32, #tpu.memory_space<hbm>>
      tpu.wait_dma2 semaphore(%run_scoped3A : memref<!tpu.dma_semaphore, #tpu.memory_space<semaphore_mem>>) src(%dma_wait3A_132 : memref<40xi32, #tpu.memory_space<hbm>>) dst(%arg5 : memref<40xi32, #tpu.memory_space<vmem>>)
      tpu.yield
    }) : () -> ()
    %dma_start3A_59 = arith.constant 0 : i32
    %dma_start3A_60 = arith.constant 0 : i32
    %dma_start3A_61 = tpu.memref_slice %arg2[%dma_start3A_59, %dma_start3A_60] : memref<10000x256xf32, #tpu.memory_space<hbm>> -> memref<10000x256xf32, #tpu.memory_space<hbm>>
    tpu.enqueue_indirect_dma source(%dma_start3A_61 : memref<10000x256xf32, #tpu.memory_space<hbm>>) target(%arg6 : memref<40x256xf32, #tpu.memory_space<vmem>>) offsets(%arg5 : memref<40xi32, #tpu.memory_space<vmem>>) semaphore(%arg7 : memref<!tpu.dma_semaphore, #tpu.memory_space<semaphore_mem>>)
    %dma_wait3A_62 = arith.constant 0 : i32
    %dma_wait3A_63 = arith.constant 0 : i32
    %dma_wait3A_64 = tpu.memref_slice %arg2[%dma_wait3A_62, %dma_wait3A_63] : memref<10000x256xf32, #tpu.memory_space<hbm>> -> memref<10000x256xf32, #tpu.memory_space<hbm>>
    tpu.wait_indirect_dma semaphore(%arg7 : memref<!tpu.dma_semaphore, #tpu.memory_space<semaphore_mem>>) src(%dma_wait3A_64 : memref<10000x256xf32, #tpu.memory_space<hbm>>) dst(%arg6 : memref<40x256xf32, #tpu.memory_space<vmem>>)
    "tpu.region"() ({
      %run_scoped3A = tpu.sem_alloc : memref<!tpu.dma_semaphore, #tpu.memory_space<semaphore_mem>>
      %dma_start3A_129 = arith.constant 0 : i32
      %dma_start3A_130 = tpu.memref_slice %arg4[%add3A_58, %dma_start3A_129] : memref<20480x256xf32, #tpu.memory_space<hbm>> -> memref<40x256xf32, #tpu.memory_space<hbm>>
      %dma_start3A_131 = arith.constant 0 : i32
      %dma_start3A_132 = tpu.memref_slice %arg4[%add3A_58, %dma_start3A_131] : memref<20480x256xf32, #tpu.memory_space<hbm>> -> memref<40x256xf32, #tpu.memory_space<hbm>>
      tpu.enqueue_dma source(%arg6 : memref<40x256xf32, #tpu.memory_space<vmem>>) target(%dma_start3A_132 : memref<40x256xf32, #tpu.memory_space<hbm>>) target_semaphore(%run_scoped3A : memref<!tpu.dma_semaphore, #tpu.memory_space<semaphore_mem>>)
      %dma_wait3A_133 = arith.constant 0 : i32
      %dma_wait3A_134 = tpu.memref_slice %arg4[%add3A_58, %dma_wait3A_133] : memref<20480x256xf32, #tpu.memory_space<hbm>> -> memref<40x256xf32, #tpu.memory_space<hbm>>
      %dma_wait3A_135 = arith.constant 0 : i32
      %dma_wait3A_136 = tpu.memref_slice %arg4[%add3A_58, %dma_wait3A_135] : memref<20480x256xf32, #tpu.memory_space<hbm>> -> memref<40x256xf32, #tpu.memory_space<hbm>>
      tpu.wait_dma2 semaphore(%run_scoped3A : memref<!tpu.dma_semaphore, #tpu.memory_space<semaphore_mem>>) src(%arg6 : memref<40x256xf32, #tpu.memory_space<vmem>>) dst(%dma_wait3A_136 : memref<40x256xf32, #tpu.memory_space<hbm>>)
      tpu.yield
    }) : () -> ()
    %add3A_65 = arith.constant 320 : i32
    %add3A_66 = arith.addi %mul3A_2, %add3A_65 : i32
    "tpu.region"() ({
      %run_scoped3A = tpu.sem_alloc : memref<!tpu.dma_semaphore, #tpu.memory_space<semaphore_mem>>
      %dma_start3A_129 = tpu.memref_slice %arg3[%add3A_66] : memref<20480xi32, #tpu.memory_space<hbm>> -> memref<40xi32, #tpu.memory_space<hbm>>
      %dma_start3A_130 = tpu.memref_slice %arg3[%add3A_66] : memref<20480xi32, #tpu.memory_space<hbm>> -> memref<40xi32, #tpu.memory_space<hbm>>
      tpu.enqueue_dma source(%dma_start3A_130 : memref<40xi32, #tpu.memory_space<hbm>>) target(%arg5 : memref<40xi32, #tpu.memory_space<vmem>>) target_semaphore(%run_scoped3A : memref<!tpu.dma_semaphore, #tpu.memory_space<semaphore_mem>>)
      %dma_wait3A_131 = tpu.memref_slice %arg3[%add3A_66] : memref<20480xi32, #tpu.memory_space<hbm>> -> memref<40xi32, #tpu.memory_space<hbm>>
      %dma_wait3A_132 = tpu.memref_slice %arg3[%add3A_66] : memref<20480xi32, #tpu.memory_space<hbm>> -> memref<40xi32, #tpu.memory_space<hbm>>
      tpu.wait_dma2 semaphore(%run_scoped3A : memref<!tpu.dma_semaphore, #tpu.memory_space<semaphore_mem>>) src(%dma_wait3A_132 : memref<40xi32, #tpu.memory_space<hbm>>) dst(%arg5 : memref<40xi32, #tpu.memory_space<vmem>>)
      tpu.yield
    }) : () -> ()
    %dma_start3A_67 = arith.constant 0 : i32
    %dma_start3A_68 = arith.constant 0 : i32
    %dma_start3A_69 = tpu.memref_slice %arg2[%dma_start3A_67, %dma_start3A_68] : memref<10000x256xf32, #tpu.memory_space<hbm>> -> memref<10000x256xf32, #tpu.memory_space<hbm>>
    tpu.enqueue_indirect_dma source(%dma_start3A_69 : memref<10000x256xf32, #tpu.memory_space<hbm>>) target(%arg6 : memref<40x256xf32, #tpu.memory_space<vmem>>) offsets(%arg5 : memref<40xi32, #tpu.memory_space<vmem>>) semaphore(%arg7 : memref<!tpu.dma_semaphore, #tpu.memory_space<semaphore_mem>>)
    %dma_wait3A_70 = arith.constant 0 : i32
    %dma_wait3A_71 = arith.constant 0 : i32
    %dma_wait3A_72 = tpu.memref_slice %arg2[%dma_wait3A_70, %dma_wait3A_71] : memref<10000x256xf32, #tpu.memory_space<hbm>> -> memref<10000x256xf32, #tpu.memory_space<hbm>>
    tpu.wait_indirect_dma semaphore(%arg7 : memref<!tpu.dma_semaphore, #tpu.memory_space<semaphore_mem>>) src(%dma_wait3A_72 : memref<10000x256xf32, #tpu.memory_space<hbm>>) dst(%arg6 : memref<40x256xf32, #tpu.memory_space<vmem>>)
    "tpu.region"() ({
      %run_scoped3A = tpu.sem_alloc : memref<!tpu.dma_semaphore, #tpu.memory_space<semaphore_mem>>
      %dma_start3A_129 = arith.constant 0 : i32
      %dma_start3A_130 = tpu.memref_slice %arg4[%add3A_66, %dma_start3A_129] : memref<20480x256xf32, #tpu.memory_space<hbm>> -> memref<40x256xf32, #tpu.memory_space<hbm>>
      %dma_start3A_131 = arith.constant 0 : i32
      %dma_start3A_132 = tpu.memref_slice %arg4[%add3A_66, %dma_start3A_131] : memref<20480x256xf32, #tpu.memory_space<hbm>> -> memref<40x256xf32, #tpu.memory_space<hbm>>
      tpu.enqueue_dma source(%arg6 : memref<40x256xf32, #tpu.memory_space<vmem>>) target(%dma_start3A_132 : memref<40x256xf32, #tpu.memory_space<hbm>>) target_semaphore(%run_scoped3A : memref<!tpu.dma_semaphore, #tpu.memory_space<semaphore_mem>>)
      %dma_wait3A_133 = arith.constant 0 : i32
      %dma_wait3A_134 = tpu.memref_slice %arg4[%add3A_66, %dma_wait3A_133] : memref<20480x256xf32, #tpu.memory_space<hbm>> -> memref<40x256xf32, #tpu.memory_space<hbm>>
      %dma_wait3A_135 = arith.constant 0 : i32
      %dma_wait3A_136 = tpu.memref_slice %arg4[%add3A_66, %dma_wait3A_135] : memref<20480x256xf32, #tpu.memory_space<hbm>> -> memref<40x256xf32, #tpu.memory_space<hbm>>
      tpu.wait_dma2 semaphore(%run_scoped3A : memref<!tpu.dma_semaphore, #tpu.memory_space<semaphore_mem>>) src(%arg6 : memref<40x256xf32, #tpu.memory_space<vmem>>) dst(%dma_wait3A_136 : memref<40x256xf32, #tpu.memory_space<hbm>>)
      tpu.yield
    }) : () -> ()
    %add3A_73 = arith.constant 360 : i32
    %add3A_74 = arith.addi %mul3A_2, %add3A_73 : i32
    "tpu.region"() ({
      %run_scoped3A = tpu.sem_alloc : memref<!tpu.dma_semaphore, #tpu.memory_space<semaphore_mem>>
      %dma_start3A_129 = tpu.memref_slice %arg3[%add3A_74] : memref<20480xi32, #tpu.memory_space<hbm>> -> memref<40xi32, #tpu.memory_space<hbm>>
      %dma_start3A_130 = tpu.memref_slice %arg3[%add3A_74] : memref<20480xi32, #tpu.memory_space<hbm>> -> memref<40xi32, #tpu.memory_space<hbm>>
      tpu.enqueue_dma source(%dma_start3A_130 : memref<40xi32, #tpu.memory_space<hbm>>) target(%arg5 : memref<40xi32, #tpu.memory_space<vmem>>) target_semaphore(%run_scoped3A : memref<!tpu.dma_semaphore, #tpu.memory_space<semaphore_mem>>)
      %dma_wait3A_131 = tpu.memref_slice %arg3[%add3A_74] : memref<20480xi32, #tpu.memory_space<hbm>> -> memref<40xi32, #tpu.memory_space<hbm>>
      %dma_wait3A_132 = tpu.memref_slice %arg3[%add3A_74] : memref<20480xi32, #tpu.memory_space<hbm>> -> memref<40xi32, #tpu.memory_space<hbm>>
      tpu.wait_dma2 semaphore(%run_scoped3A : memref<!tpu.dma_semaphore, #tpu.memory_space<semaphore_mem>>) src(%dma_wait3A_132 : memref<40xi32, #tpu.memory_space<hbm>>) dst(%arg5 : memref<40xi32, #tpu.memory_space<vmem>>)
      tpu.yield
    }) : () -> ()
    %dma_start3A_75 = arith.constant 0 : i32
    %dma_start3A_76 = arith.constant 0 : i32
    %dma_start3A_77 = tpu.memref_slice %arg2[%dma_start3A_75, %dma_start3A_76] : memref<10000x256xf32, #tpu.memory_space<hbm>> -> memref<10000x256xf32, #tpu.memory_space<hbm>>
    tpu.enqueue_indirect_dma source(%dma_start3A_77 : memref<10000x256xf32, #tpu.memory_space<hbm>>) target(%arg6 : memref<40x256xf32, #tpu.memory_space<vmem>>) offsets(%arg5 : memref<40xi32, #tpu.memory_space<vmem>>) semaphore(%arg7 : memref<!tpu.dma_semaphore, #tpu.memory_space<semaphore_mem>>)
    %dma_wait3A_78 = arith.constant 0 : i32
    %dma_wait3A_79 = arith.constant 0 : i32
    %dma_wait3A_80 = tpu.memref_slice %arg2[%dma_wait3A_78, %dma_wait3A_79] : memref<10000x256xf32, #tpu.memory_space<hbm>> -> memref<10000x256xf32, #tpu.memory_space<hbm>>
    tpu.wait_indirect_dma semaphore(%arg7 : memref<!tpu.dma_semaphore, #tpu.memory_space<semaphore_mem>>) src(%dma_wait3A_80 : memref<10000x256xf32, #tpu.memory_space<hbm>>) dst(%arg6 : memref<40x256xf32, #tpu.memory_space<vmem>>)
    "tpu.region"() ({
      %run_scoped3A = tpu.sem_alloc : memref<!tpu.dma_semaphore, #tpu.memory_space<semaphore_mem>>
      %dma_start3A_129 = arith.constant 0 : i32
      %dma_start3A_130 = tpu.memref_slice %arg4[%add3A_74, %dma_start3A_129] : memref<20480x256xf32, #tpu.memory_space<hbm>> -> memref<40x256xf32, #tpu.memory_space<hbm>>
      %dma_start3A_131 = arith.constant 0 : i32
      %dma_start3A_132 = tpu.memref_slice %arg4[%add3A_74, %dma_start3A_131] : memref<20480x256xf32, #tpu.memory_space<hbm>> -> memref<40x256xf32, #tpu.memory_space<hbm>>
      tpu.enqueue_dma source(%arg6 : memref<40x256xf32, #tpu.memory_space<vmem>>) target(%dma_start3A_132 : memref<40x256xf32, #tpu.memory_space<hbm>>) target_semaphore(%run_scoped3A : memref<!tpu.dma_semaphore, #tpu.memory_space<semaphore_mem>>)
      %dma_wait3A_133 = arith.constant 0 : i32
      %dma_wait3A_134 = tpu.memref_slice %arg4[%add3A_74, %dma_wait3A_133] : memref<20480x256xf32, #tpu.memory_space<hbm>> -> memref<40x256xf32, #tpu.memory_space<hbm>>
      %dma_wait3A_135 = arith.constant 0 : i32
      %dma_wait3A_136 = tpu.memref_slice %arg4[%add3A_74, %dma_wait3A_135] : memref<20480x256xf32, #tpu.memory_space<hbm>> -> memref<40x256xf32, #tpu.memory_space<hbm>>
      tpu.wait_dma2 semaphore(%run_scoped3A : memref<!tpu.dma_semaphore, #tpu.memory_space<semaphore_mem>>) src(%arg6 : memref<40x256xf32, #tpu.memory_space<vmem>>) dst(%dma_wait3A_136 : memref<40x256xf32, #tpu.memory_space<hbm>>)
      tpu.yield
    }) : () -> ()
    %add3A_81 = arith.constant 400 : i32
    %add3A_82 = arith.addi %mul3A_2, %add3A_81 : i32
    "tpu.region"() ({
      %run_scoped3A = tpu.sem_alloc : memref<!tpu.dma_semaphore, #tpu.memory_space<semaphore_mem>>
      %dma_start3A_129 = tpu.memref_slice %arg3[%add3A_82] : memref<20480xi32, #tpu.memory_space<hbm>> -> memref<40xi32, #tpu.memory_space<hbm>>
      %dma_start3A_130 = tpu.memref_slice %arg3[%add3A_82] : memref<20480xi32, #tpu.memory_space<hbm>> -> memref<40xi32, #tpu.memory_space<hbm>>
      tpu.enqueue_dma source(%dma_start3A_130 : memref<40xi32, #tpu.memory_space<hbm>>) target(%arg5 : memref<40xi32, #tpu.memory_space<vmem>>) target_semaphore(%run_scoped3A : memref<!tpu.dma_semaphore, #tpu.memory_space<semaphore_mem>>)
      %dma_wait3A_131 = tpu.memref_slice %arg3[%add3A_82] : memref<20480xi32, #tpu.memory_space<hbm>> -> memref<40xi32, #tpu.memory_space<hbm>>
      %dma_wait3A_132 = tpu.memref_slice %arg3[%add3A_82] : memref<20480xi32, #tpu.memory_space<hbm>> -> memref<40xi32, #tpu.memory_space<hbm>>
      tpu.wait_dma2 semaphore(%run_scoped3A : memref<!tpu.dma_semaphore, #tpu.memory_space<semaphore_mem>>) src(%dma_wait3A_132 : memref<40xi32, #tpu.memory_space<hbm>>) dst(%arg5 : memref<40xi32, #tpu.memory_space<vmem>>)
      tpu.yield
    }) : () -> ()
    %dma_start3A_83 = arith.constant 0 : i32
    %dma_start3A_84 = arith.constant 0 : i32
    %dma_start3A_85 = tpu.memref_slice %arg2[%dma_start3A_83, %dma_start3A_84] : memref<10000x256xf32, #tpu.memory_space<hbm>> -> memref<10000x256xf32, #tpu.memory_space<hbm>>
    tpu.enqueue_indirect_dma source(%dma_start3A_85 : memref<10000x256xf32, #tpu.memory_space<hbm>>) target(%arg6 : memref<40x256xf32, #tpu.memory_space<vmem>>) offsets(%arg5 : memref<40xi32, #tpu.memory_space<vmem>>) semaphore(%arg7 : memref<!tpu.dma_semaphore, #tpu.memory_space<semaphore_mem>>)
    %dma_wait3A_86 = arith.constant 0 : i32
    %dma_wait3A_87 = arith.constant 0 : i32
    %dma_wait3A_88 = tpu.memref_slice %arg2[%dma_wait3A_86, %dma_wait3A_87] : memref<10000x256xf32, #tpu.memory_space<hbm>> -> memref<10000x256xf32, #tpu.memory_space<hbm>>
    tpu.wait_indirect_dma semaphore(%arg7 : memref<!tpu.dma_semaphore, #tpu.memory_space<semaphore_mem>>) src(%dma_wait3A_88 : memref<10000x256xf32, #tpu.memory_space<hbm>>) dst(%arg6 : memref<40x256xf32, #tpu.memory_space<vmem>>)
    "tpu.region"() ({
      %run_scoped3A = tpu.sem_alloc : memref<!tpu.dma_semaphore, #tpu.memory_space<semaphore_mem>>
      %dma_start3A_129 = arith.constant 0 : i32
      %dma_start3A_130 = tpu.memref_slice %arg4[%add3A_82, %dma_start3A_129] : memref<20480x256xf32, #tpu.memory_space<hbm>> -> memref<40x256xf32, #tpu.memory_space<hbm>>
      %dma_start3A_131 = arith.constant 0 : i32
      %dma_start3A_132 = tpu.memref_slice %arg4[%add3A_82, %dma_start3A_131] : memref<20480x256xf32, #tpu.memory_space<hbm>> -> memref<40x256xf32, #tpu.memory_space<hbm>>
      tpu.enqueue_dma source(%arg6 : memref<40x256xf32, #tpu.memory_space<vmem>>) target(%dma_start3A_132 : memref<40x256xf32, #tpu.memory_space<hbm>>) target_semaphore(%run_scoped3A : memref<!tpu.dma_semaphore, #tpu.memory_space<semaphore_mem>>)
      %dma_wait3A_133 = arith.constant 0 : i32
      %dma_wait3A_134 = tpu.memref_slice %arg4[%add3A_82, %dma_wait3A_133] : memref<20480x256xf32, #tpu.memory_space<hbm>> -> memref<40x256xf32, #tpu.memory_space<hbm>>
      %dma_wait3A_135 = arith.constant 0 : i32
      %dma_wait3A_136 = tpu.memref_slice %arg4[%add3A_82, %dma_wait3A_135] : memref<20480x256xf32, #tpu.memory_space<hbm>> -> memref<40x256xf32, #tpu.memory_space<hbm>>
      tpu.wait_dma2 semaphore(%run_scoped3A : memref<!tpu.dma_semaphore, #tpu.memory_space<semaphore_mem>>) src(%arg6 : memref<40x256xf32, #tpu.memory_space<vmem>>) dst(%dma_wait3A_136 : memref<40x256xf32, #tpu.memory_space<hbm>>)
      tpu.yield
    }) : () -> ()
    %add3A_89 = arith.constant 440 : i32
    %add3A_90 = arith.addi %mul3A_2, %add3A_89 : i32
    "tpu.region"() ({
      %run_scoped3A = tpu.sem_alloc : memref<!tpu.dma_semaphore, #tpu.memory_space<semaphore_mem>>
      %dma_start3A_129 = tpu.memref_slice %arg3[%add3A_90] : memref<20480xi32, #tpu.memory_space<hbm>> -> memref<40xi32, #tpu.memory_space<hbm>>
      %dma_start3A_130 = tpu.memref_slice %arg3[%add3A_90] : memref<20480xi32, #tpu.memory_space<hbm>> -> memref<40xi32, #tpu.memory_space<hbm>>
      tpu.enqueue_dma source(%dma_start3A_130 : memref<40xi32, #tpu.memory_space<hbm>>) target(%arg5 : memref<40xi32, #tpu.memory_space<vmem>>) target_semaphore(%run_scoped3A : memref<!tpu.dma_semaphore, #tpu.memory_space<semaphore_mem>>)
      %dma_wait3A_131 = tpu.memref_slice %arg3[%add3A_90] : memref<20480xi32, #tpu.memory_space<hbm>> -> memref<40xi32, #tpu.memory_space<hbm>>
      %dma_wait3A_132 = tpu.memref_slice %arg3[%add3A_90] : memref<20480xi32, #tpu.memory_space<hbm>> -> memref<40xi32, #tpu.memory_space<hbm>>
      tpu.wait_dma2 semaphore(%run_scoped3A : memref<!tpu.dma_semaphore, #tpu.memory_space<semaphore_mem>>) src(%dma_wait3A_132 : memref<40xi32, #tpu.memory_space<hbm>>) dst(%arg5 : memref<40xi32, #tpu.memory_space<vmem>>)
      tpu.yield
    }) : () -> ()
    %dma_start3A_91 = arith.constant 0 : i32
    %dma_start3A_92 = arith.constant 0 : i32
    %dma_start3A_93 = tpu.memref_slice %arg2[%dma_start3A_91, %dma_start3A_92] : memref<10000x256xf32, #tpu.memory_space<hbm>> -> memref<10000x256xf32, #tpu.memory_space<hbm>>
    tpu.enqueue_indirect_dma source(%dma_start3A_93 : memref<10000x256xf32, #tpu.memory_space<hbm>>) target(%arg6 : memref<40x256xf32, #tpu.memory_space<vmem>>) offsets(%arg5 : memref<40xi32, #tpu.memory_space<vmem>>) semaphore(%arg7 : memref<!tpu.dma_semaphore, #tpu.memory_space<semaphore_mem>>)
    %dma_wait3A_94 = arith.constant 0 : i32
    %dma_wait3A_95 = arith.constant 0 : i32
    %dma_wait3A_96 = tpu.memref_slice %arg2[%dma_wait3A_94, %dma_wait3A_95] : memref<10000x256xf32, #tpu.memory_space<hbm>> -> memref<10000x256xf32, #tpu.memory_space<hbm>>
    tpu.wait_indirect_dma semaphore(%arg7 : memref<!tpu.dma_semaphore, #tpu.memory_space<semaphore_mem>>) src(%dma_wait3A_96 : memref<10000x256xf32, #tpu.memory_space<hbm>>) dst(%arg6 : memref<40x256xf32, #tpu.memory_space<vmem>>)
    "tpu.region"() ({
      %run_scoped3A = tpu.sem_alloc : memref<!tpu.dma_semaphore, #tpu.memory_space<semaphore_mem>>
      %dma_start3A_129 = arith.constant 0 : i32
      %dma_start3A_130 = tpu.memref_slice %arg4[%add3A_90, %dma_start3A_129] : memref<20480x256xf32, #tpu.memory_space<hbm>> -> memref<40x256xf32, #tpu.memory_space<hbm>>
      %dma_start3A_131 = arith.constant 0 : i32
      %dma_start3A_132 = tpu.memref_slice %arg4[%add3A_90, %dma_start3A_131] : memref<20480x256xf32, #tpu.memory_space<hbm>> -> memref<40x256xf32, #tpu.memory_space<hbm>>
      tpu.enqueue_dma source(%arg6 : memref<40x256xf32, #tpu.memory_space<vmem>>) target(%dma_start3A_132 : memref<40x256xf32, #tpu.memory_space<hbm>>) target_semaphore(%run_scoped3A : memref<!tpu.dma_semaphore, #tpu.memory_space<semaphore_mem>>)
      %dma_wait3A_133 = arith.constant 0 : i32
      %dma_wait3A_134 = tpu.memref_slice %arg4[%add3A_90, %dma_wait3A_133] : memref<20480x256xf32, #tpu.memory_space<hbm>> -> memref<40x256xf32, #tpu.memory_space<hbm>>
      %dma_wait3A_135 = arith.constant 0 : i32
      %dma_wait3A_136 = tpu.memref_slice %arg4[%add3A_90, %dma_wait3A_135] : memref<20480x256xf32, #tpu.memory_space<hbm>> -> memref<40x256xf32, #tpu.memory_space<hbm>>
      tpu.wait_dma2 semaphore(%run_scoped3A : memref<!tpu.dma_semaphore, #tpu.memory_space<semaphore_mem>>) src(%arg6 : memref<40x256xf32, #tpu.memory_space<vmem>>) dst(%dma_wait3A_136 : memref<40x256xf32, #tpu.memory_space<hbm>>)
      tpu.yield
    }) : () -> ()
    %add3A_97 = arith.constant 480 : i32
    %add3A_98 = arith.addi %mul3A_2, %add3A_97 : i32
    "tpu.region"() ({
      %run_scoped3A = tpu.sem_alloc : memref<!tpu.dma_semaphore, #tpu.memory_space<semaphore_mem>>
      %dma_start3A_129 = tpu.memref_slice %arg3[%add3A_98] : memref<20480xi32, #tpu.memory_space<hbm>> -> memref<40xi32, #tpu.memory_space<hbm>>
      %dma_start3A_130 = tpu.memref_slice %arg3[%add3A_98] : memref<20480xi32, #tpu.memory_space<hbm>> -> memref<40xi32, #tpu.memory_space<hbm>>
      tpu.enqueue_dma source(%dma_start3A_130 : memref<40xi32, #tpu.memory_space<hbm>>) target(%arg5 : memref<40xi32, #tpu.memory_space<vmem>>) target_semaphore(%run_scoped3A : memref<!tpu.dma_semaphore, #tpu.memory_space<semaphore_mem>>)
      %dma_wait3A_131 = tpu.memref_slice %arg3[%add3A_98] : memref<20480xi32, #tpu.memory_space<hbm>> -> memref<40xi32, #tpu.memory_space<hbm>>
      %dma_wait3A_132 = tpu.memref_slice %arg3[%add3A_98] : memref<20480xi32, #tpu.memory_space<hbm>> -> memref<40xi32, #tpu.memory_space<hbm>>
      tpu.wait_dma2 semaphore(%run_scoped3A : memref<!tpu.dma_semaphore, #tpu.memory_space<semaphore_mem>>) src(%dma_wait3A_132 : memref<40xi32, #tpu.memory_space<hbm>>) dst(%arg5 : memref<40xi32, #tpu.memory_space<vmem>>)
      tpu.yield
    }) : () -> ()
    %dma_start3A_99 = arith.constant 0 : i32
    %dma_start3A_100 = arith.constant 0 : i32
    %dma_start3A_101 = tpu.memref_slice %arg2[%dma_start3A_99, %dma_start3A_100] : memref<10000x256xf32, #tpu.memory_space<hbm>> -> memref<10000x256xf32, #tpu.memory_space<hbm>>
    tpu.enqueue_indirect_dma source(%dma_start3A_101 : memref<10000x256xf32, #tpu.memory_space<hbm>>) target(%arg6 : memref<40x256xf32, #tpu.memory_space<vmem>>) offsets(%arg5 : memref<40xi32, #tpu.memory_space<vmem>>) semaphore(%arg7 : memref<!tpu.dma_semaphore, #tpu.memory_space<semaphore_mem>>)
    %dma_wait3A_102 = arith.constant 0 : i32
    %dma_wait3A_103 = arith.constant 0 : i32
    %dma_wait3A_104 = tpu.memref_slice %arg2[%dma_wait3A_102, %dma_wait3A_103] : memref<10000x256xf32, #tpu.memory_space<hbm>> -> memref<10000x256xf32, #tpu.memory_space<hbm>>
    tpu.wait_indirect_dma semaphore(%arg7 : memref<!tpu.dma_semaphore, #tpu.memory_space<semaphore_mem>>) src(%dma_wait3A_104 : memref<10000x256xf32, #tpu.memory_space<hbm>>) dst(%arg6 : memref<40x256xf32, #tpu.memory_space<vmem>>)
    "tpu.region"() ({
      %run_scoped3A = tpu.sem_alloc : memref<!tpu.dma_semaphore, #tpu.memory_space<semaphore_mem>>
      %dma_start3A_129 = arith.constant 0 : i32
      %dma_start3A_130 = tpu.memref_slice %arg4[%add3A_98, %dma_start3A_129] : memref<20480x256xf32, #tpu.memory_space<hbm>> -> memref<40x256xf32, #tpu.memory_space<hbm>>
      %dma_start3A_131 = arith.constant 0 : i32
      %dma_start3A_132 = tpu.memref_slice %arg4[%add3A_98, %dma_start3A_131] : memref<20480x256xf32, #tpu.memory_space<hbm>> -> memref<40x256xf32, #tpu.memory_space<hbm>>
      tpu.enqueue_dma source(%arg6 : memref<40x256xf32, #tpu.memory_space<vmem>>) target(%dma_start3A_132 : memref<40x256xf32, #tpu.memory_space<hbm>>) target_semaphore(%run_scoped3A : memref<!tpu.dma_semaphore, #tpu.memory_space<semaphore_mem>>)
      %dma_wait3A_133 = arith.constant 0 : i32
      %dma_wait3A_134 = tpu.memref_slice %arg4[%add3A_98, %dma_wait3A_133] : memref<20480x256xf32, #tpu.memory_space<hbm>> -> memref<40x256xf32, #tpu.memory_space<hbm>>
      %dma_wait3A_135 = arith.constant 0 : i32
      %dma_wait3A_136 = tpu.memref_slice %arg4[%add3A_98, %dma_wait3A_135] : memref<20480x256xf32, #tpu.memory_space<hbm>> -> memref<40x256xf32, #tpu.memory_space<hbm>>
      tpu.wait_dma2 semaphore(%run_scoped3A : memref<!tpu.dma_semaphore, #tpu.memory_space<semaphore_mem>>) src(%arg6 : memref<40x256xf32, #tpu.memory_space<vmem>>) dst(%dma_wait3A_136 : memref<40x256xf32, #tpu.memory_space<hbm>>)
      tpu.yield
    }) : () -> ()
    %add3A_105 = arith.constant 520 : i32
    %add3A_106 = arith.addi %mul3A_2, %add3A_105 : i32
    "tpu.region"() ({
      %run_scoped3A = tpu.sem_alloc : memref<!tpu.dma_semaphore, #tpu.memory_space<semaphore_mem>>
      %dma_start3A_129 = tpu.memref_slice %arg3[%add3A_106] : memref<20480xi32, #tpu.memory_space<hbm>> -> memref<40xi32, #tpu.memory_space<hbm>>
      %dma_start3A_130 = tpu.memref_slice %arg3[%add3A_106] : memref<20480xi32, #tpu.memory_space<hbm>> -> memref<40xi32, #tpu.memory_space<hbm>>
      tpu.enqueue_dma source(%dma_start3A_130 : memref<40xi32, #tpu.memory_space<hbm>>) target(%arg5 : memref<40xi32, #tpu.memory_space<vmem>>) target_semaphore(%run_scoped3A : memref<!tpu.dma_semaphore, #tpu.memory_space<semaphore_mem>>)
      %dma_wait3A_131 = tpu.memref_slice %arg3[%add3A_106] : memref<20480xi32, #tpu.memory_space<hbm>> -> memref<40xi32, #tpu.memory_space<hbm>>
      %dma_wait3A_132 = tpu.memref_slice %arg3[%add3A_106] : memref<20480xi32, #tpu.memory_space<hbm>> -> memref<40xi32, #tpu.memory_space<hbm>>
      tpu.wait_dma2 semaphore(%run_scoped3A : memref<!tpu.dma_semaphore, #tpu.memory_space<semaphore_mem>>) src(%dma_wait3A_132 : memref<40xi32, #tpu.memory_space<hbm>>) dst(%arg5 : memref<40xi32, #tpu.memory_space<vmem>>)
      tpu.yield
    }) : () -> ()
    %dma_start3A_107 = arith.constant 0 : i32
    %dma_start3A_108 = arith.constant 0 : i32
    %dma_start3A_109 = tpu.memref_slice %arg2[%dma_start3A_107, %dma_start3A_108] : memref<10000x256xf32, #tpu.memory_space<hbm>> -> memref<10000x256xf32, #tpu.memory_space<hbm>>
    tpu.enqueue_indirect_dma source(%dma_start3A_109 : memref<10000x256xf32, #tpu.memory_space<hbm>>) target(%arg6 : memref<40x256xf32, #tpu.memory_space<vmem>>) offsets(%arg5 : memref<40xi32, #tpu.memory_space<vmem>>) semaphore(%arg7 : memref<!tpu.dma_semaphore, #tpu.memory_space<semaphore_mem>>)
    %dma_wait3A_110 = arith.constant 0 : i32
    %dma_wait3A_111 = arith.constant 0 : i32
    %dma_wait3A_112 = tpu.memref_slice %arg2[%dma_wait3A_110, %dma_wait3A_111] : memref<10000x256xf32, #tpu.memory_space<hbm>> -> memref<10000x256xf32, #tpu.memory_space<hbm>>
    tpu.wait_indirect_dma semaphore(%arg7 : memref<!tpu.dma_semaphore, #tpu.memory_space<semaphore_mem>>) src(%dma_wait3A_112 : memref<10000x256xf32, #tpu.memory_space<hbm>>) dst(%arg6 : memref<40x256xf32, #tpu.memory_space<vmem>>)
    "tpu.region"() ({
      %run_scoped3A = tpu.sem_alloc : memref<!tpu.dma_semaphore, #tpu.memory_space<semaphore_mem>>
      %dma_start3A_129 = arith.constant 0 : i32
      %dma_start3A_130 = tpu.memref_slice %arg4[%add3A_106, %dma_start3A_129] : memref<20480x256xf32, #tpu.memory_space<hbm>> -> memref<40x256xf32, #tpu.memory_space<hbm>>
      %dma_start3A_131 = arith.constant 0 : i32
      %dma_start3A_132 = tpu.memref_slice %arg4[%add3A_106, %dma_start3A_131] : memref<20480x256xf32, #tpu.memory_space<hbm>> -> memref<40x256xf32, #tpu.memory_space<hbm>>
      tpu.enqueue_dma source(%arg6 : memref<40x256xf32, #tpu.memory_space<vmem>>) target(%dma_start3A_132 : memref<40x256xf32, #tpu.memory_space<hbm>>) target_semaphore(%run_scoped3A : memref<!tpu.dma_semaphore, #tpu.memory_space<semaphore_mem>>)
      %dma_wait3A_133 = arith.constant 0 : i32
      %dma_wait3A_134 = tpu.memref_slice %arg4[%add3A_106, %dma_wait3A_133] : memref<20480x256xf32, #tpu.memory_space<hbm>> -> memref<40x256xf32, #tpu.memory_space<hbm>>
      %dma_wait3A_135 = arith.constant 0 : i32
      %dma_wait3A_136 = tpu.memref_slice %arg4[%add3A_106, %dma_wait3A_135] : memref<20480x256xf32, #tpu.memory_space<hbm>> -> memref<40x256xf32, #tpu.memory_space<hbm>>
      tpu.wait_dma2 semaphore(%run_scoped3A : memref<!tpu.dma_semaphore, #tpu.memory_space<semaphore_mem>>) src(%arg6 : memref<40x256xf32, #tpu.memory_space<vmem>>) dst(%dma_wait3A_136 : memref<40x256xf32, #tpu.memory_space<hbm>>)
      tpu.yield
    }) : () -> ()
    %add3A_113 = arith.constant 560 : i32
    %add3A_114 = arith.addi %mul3A_2, %add3A_113 : i32
    "tpu.region"() ({
      %run_scoped3A = tpu.sem_alloc : memref<!tpu.dma_semaphore, #tpu.memory_space<semaphore_mem>>
      %dma_start3A_129 = tpu.memref_slice %arg3[%add3A_114] : memref<20480xi32, #tpu.memory_space<hbm>> -> memref<40xi32, #tpu.memory_space<hbm>>
      %dma_start3A_130 = tpu.memref_slice %arg3[%add3A_114] : memref<20480xi32, #tpu.memory_space<hbm>> -> memref<40xi32, #tpu.memory_space<hbm>>
      tpu.enqueue_dma source(%dma_start3A_130 : memref<40xi32, #tpu.memory_space<hbm>>) target(%arg5 : memref<40xi32, #tpu.memory_space<vmem>>) target_semaphore(%run_scoped3A : memref<!tpu.dma_semaphore, #tpu.memory_space<semaphore_mem>>)
      %dma_wait3A_131 = tpu.memref_slice %arg3[%add3A_114] : memref<20480xi32, #tpu.memory_space<hbm>> -> memref<40xi32, #tpu.memory_space<hbm>>
      %dma_wait3A_132 = tpu.memref_slice %arg3[%add3A_114] : memref<20480xi32, #tpu.memory_space<hbm>> -> memref<40xi32, #tpu.memory_space<hbm>>
      tpu.wait_dma2 semaphore(%run_scoped3A : memref<!tpu.dma_semaphore, #tpu.memory_space<semaphore_mem>>) src(%dma_wait3A_132 : memref<40xi32, #tpu.memory_space<hbm>>) dst(%arg5 : memref<40xi32, #tpu.memory_space<vmem>>)
      tpu.yield
    }) : () -> ()
    %dma_start3A_115 = arith.constant 0 : i32
    %dma_start3A_116 = arith.constant 0 : i32
    %dma_start3A_117 = tpu.memref_slice %arg2[%dma_start3A_115, %dma_start3A_116] : memref<10000x256xf32, #tpu.memory_space<hbm>> -> memref<10000x256xf32, #tpu.memory_space<hbm>>
    tpu.enqueue_indirect_dma source(%dma_start3A_117 : memref<10000x256xf32, #tpu.memory_space<hbm>>) target(%arg6 : memref<40x256xf32, #tpu.memory_space<vmem>>) offsets(%arg5 : memref<40xi32, #tpu.memory_space<vmem>>) semaphore(%arg7 : memref<!tpu.dma_semaphore, #tpu.memory_space<semaphore_mem>>)
    %dma_wait3A_118 = arith.constant 0 : i32
    %dma_wait3A_119 = arith.constant 0 : i32
    %dma_wait3A_120 = tpu.memref_slice %arg2[%dma_wait3A_118, %dma_wait3A_119] : memref<10000x256xf32, #tpu.memory_space<hbm>> -> memref<10000x256xf32, #tpu.memory_space<hbm>>
    tpu.wait_indirect_dma semaphore(%arg7 : memref<!tpu.dma_semaphore, #tpu.memory_space<semaphore_mem>>) src(%dma_wait3A_120 : memref<10000x256xf32, #tpu.memory_space<hbm>>) dst(%arg6 : memref<40x256xf32, #tpu.memory_space<vmem>>)
    "tpu.region"() ({
      %run_scoped3A = tpu.sem_alloc : memref<!tpu.dma_semaphore, #tpu.memory_space<semaphore_mem>>
      %dma_start3A_129 = arith.constant 0 : i32
      %dma_start3A_130 = tpu.memref_slice %arg4[%add3A_114, %dma_start3A_129] : memref<20480x256xf32, #tpu.memory_space<hbm>> -> memref<40x256xf32, #tpu.memory_space<hbm>>
      %dma_start3A_131 = arith.constant 0 : i32
      %dma_start3A_132 = tpu.memref_slice %arg4[%add3A_114, %dma_start3A_131] : memref<20480x256xf32, #tpu.memory_space<hbm>> -> memref<40x256xf32, #tpu.memory_space<hbm>>
      tpu.enqueue_dma source(%arg6 : memref<40x256xf32, #tpu.memory_space<vmem>>) target(%dma_start3A_132 : memref<40x256xf32, #tpu.memory_space<hbm>>) target_semaphore(%run_scoped3A : memref<!tpu.dma_semaphore, #tpu.memory_space<semaphore_mem>>)
      %dma_wait3A_133 = arith.constant 0 : i32
      %dma_wait3A_134 = tpu.memref_slice %arg4[%add3A_114, %dma_wait3A_133] : memref<20480x256xf32, #tpu.memory_space<hbm>> -> memref<40x256xf32, #tpu.memory_space<hbm>>
      %dma_wait3A_135 = arith.constant 0 : i32
      %dma_wait3A_136 = tpu.memref_slice %arg4[%add3A_114, %dma_wait3A_135] : memref<20480x256xf32, #tpu.memory_space<hbm>> -> memref<40x256xf32, #tpu.memory_space<hbm>>
      tpu.wait_dma2 semaphore(%run_scoped3A : memref<!tpu.dma_semaphore, #tpu.memory_space<semaphore_mem>>) src(%arg6 : memref<40x256xf32, #tpu.memory_space<vmem>>) dst(%dma_wait3A_136 : memref<40x256xf32, #tpu.memory_space<hbm>>)
      tpu.yield
    }) : () -> ()
    %add3A_121 = arith.constant 600 : i32
    %add3A_122 = arith.addi %mul3A_2, %add3A_121 : i32
    "tpu.region"() ({
      %run_scoped3A = tpu.sem_alloc : memref<!tpu.dma_semaphore, #tpu.memory_space<semaphore_mem>>
      %dma_start3A_129 = tpu.memref_slice %arg3[%add3A_122] : memref<20480xi32, #tpu.memory_space<hbm>> -> memref<40xi32, #tpu.memory_space<hbm>>
      %dma_start3A_130 = tpu.memref_slice %arg3[%add3A_122] : memref<20480xi32, #tpu.memory_space<hbm>> -> memref<40xi32, #tpu.memory_space<hbm>>
      tpu.enqueue_dma source(%dma_start3A_130 : memref<40xi32, #tpu.memory_space<hbm>>) target(%arg5 : memref<40xi32, #tpu.memory_space<vmem>>) target_semaphore(%run_scoped3A : memref<!tpu.dma_semaphore, #tpu.memory_space<semaphore_mem>>)
      %dma_wait3A_131 = tpu.memref_slice %arg3[%add3A_122] : memref<20480xi32, #tpu.memory_space<hbm>> -> memref<40xi32, #tpu.memory_space<hbm>>
      %dma_wait3A_132 = tpu.memref_slice %arg3[%add3A_122] : memref<20480xi32, #tpu.memory_space<hbm>> -> memref<40xi32, #tpu.memory_space<hbm>>
      tpu.wait_dma2 semaphore(%run_scoped3A : memref<!tpu.dma_semaphore, #tpu.memory_space<semaphore_mem>>) src(%dma_wait3A_132 : memref<40xi32, #tpu.memory_space<hbm>>) dst(%arg5 : memref<40xi32, #tpu.memory_space<vmem>>)
      tpu.yield
    }) : () -> ()
    %dma_start3A_123 = arith.constant 0 : i32
    %dma_start3A_124 = arith.constant 0 : i32
    %dma_start3A_125 = tpu.memref_slice %arg2[%dma_start3A_123, %dma_start3A_124] : memref<10000x256xf32, #tpu.memory_space<hbm>> -> memref<10000x256xf32, #tpu.memory_space<hbm>>
    tpu.enqueue_indirect_dma source(%dma_start3A_125 : memref<10000x256xf32, #tpu.memory_space<hbm>>) target(%arg6 : memref<40x256xf32, #tpu.memory_space<vmem>>) offsets(%arg5 : memref<40xi32, #tpu.memory_space<vmem>>) semaphore(%arg7 : memref<!tpu.dma_semaphore, #tpu.memory_space<semaphore_mem>>)
    %dma_wait3A_126 = arith.constant 0 : i32
    %dma_wait3A_127 = arith.constant 0 : i32
    %dma_wait3A_128 = tpu.memref_slice %arg2[%dma_wait3A_126, %dma_wait3A_127] : memref<10000x256xf32, #tpu.memory_space<hbm>> -> memref<10000x256xf32, #tpu.memory_space<hbm>>
    tpu.wait_indirect_dma semaphore(%arg7 : memref<!tpu.dma_semaphore, #tpu.memory_space<semaphore_mem>>) src(%dma_wait3A_128 : memref<10000x256xf32, #tpu.memory_space<hbm>>) dst(%arg6 : memref<40x256xf32, #tpu.memory_space<vmem>>)
    "tpu.region"() ({
      %run_scoped3A = tpu.sem_alloc : memref<!tpu.dma_semaphore, #tpu.memory_space<semaphore_mem>>
      %dma_start3A_129 = arith.constant 0 : i32
      %dma_start3A_130 = tpu.memref_slice %arg4[%add3A_122, %dma_start3A_129] : memref<20480x256xf32, #tpu.memory_space<hbm>> -> memref<40x256xf32, #tpu.memory_space<hbm>>
      %dma_start3A_131 = arith.constant 0 : i32
      %dma_start3A_132 = tpu.memref_slice %arg4[%add3A_122, %dma_start3A_131] : memref<20480x256xf32, #tpu.memory_space<hbm>> -> memref<40x256xf32, #tpu.memory_space<hbm>>
      tpu.enqueue_dma source(%arg6 : memref<40x256xf32, #tpu.memory_space<vmem>>) target(%dma_start3A_132 : memref<40x256xf32, #tpu.memory_space<hbm>>) target_semaphore(%run_scoped3A : memref<!tpu.dma_semaphore, #tpu.memory_space<semaphore_mem>>)
      %dma_wait3A_133 = arith.constant 0 : i32
      %dma_wait3A_134 = tpu.memref_slice %arg4[%add3A_122, %dma_wait3A_133] : memref<20480x256xf32, #tpu.memory_space<hbm>> -> memref<40x256xf32, #tpu.memory_space<hbm>>
      %dma_wait3A_135 = arith.constant 0 : i32
      %dma_wait3A_136 = tpu.memref_slice %arg4[%add3A_122, %dma_wait3A_135] : memref<20480x256xf32, #tpu.memory_space<hbm>> -> memref<40x256xf32, #tpu.memory_space<hbm>>
      tpu.wait_dma2 semaphore(%run_scoped3A : memref<!tpu.dma_semaphore, #tpu.memory_space<semaphore_mem>>) src(%arg6 : memref<40x256xf32, #tpu.memory_space<vmem>>) dst(%dma_wait3A_136 : memref<40x256xf32, #tpu.memory_space<hbm>>)
      tpu.yield
    }) : () -> ()
    return
  }
}

module attributes {stable_mosaic.version = 14 : i64} {
  func.func @_pool_kernel(%arg0: i32, %arg1: memref<4000x256xf32, #tpu.memory_space<vmem>>, %arg2: memref<32x256xf32, #tpu.memory_space<vmem>>, %arg3: memref<32x256xf32, #tpu.memory_space<vmem>>, %arg4: memref<1x32xf32, #tpu.memory_space<vmem>>, %arg5: memref<32x512xf32, #tpu.memory_space<vmem>>, %arg6: memref<1x32xf32, #tpu.memory_space<vmem>>, %arg7: memref<1x32xf32, #tpu.memory_space<vmem>>, %arg8: memref<1x1xf32, #tpu.memory_space<vmem>>, %arg9: memref<1x32xf32, #tpu.memory_space<vmem>>, %arg10: memref<100x1x32xf32, #tpu.memory_space<vmem>>) attributes {dimension_semantics = [#tpu.dimension_semantics<parallel>], iteration_bounds = array<i64: 5>, scalar_prefetch = 0 : i64, scratch_operands = 0 : i64, tpu.core_type = #tpu.core_type<tc>, window_params = [{transform_indices = @transform_0, window_bounds = array<i64: 4000, 256>}, {pipeline_mode = #tpu.pipeline_mode<synchronous>, transform_indices = @transform_1, window_bounds = array<i64: 32, 256>}, {pipeline_mode = #tpu.pipeline_mode<synchronous>, transform_indices = @transform_2, window_bounds = array<i64: 32, 256>}, {pipeline_mode = #tpu.pipeline_mode<synchronous>, transform_indices = @transform_3, window_bounds = array<i64: 1, 32>}, {pipeline_mode = #tpu.pipeline_mode<synchronous>, transform_indices = @transform_4, window_bounds = array<i64: 32, 512>}, {pipeline_mode = #tpu.pipeline_mode<synchronous>, transform_indices = @transform_5, window_bounds = array<i64: 1, 32>}, {pipeline_mode = #tpu.pipeline_mode<synchronous>, transform_indices = @transform_6, window_bounds = array<i64: 1, 32>}, {pipeline_mode = #tpu.pipeline_mode<synchronous>, transform_indices = @transform_7, window_bounds = array<i64: 1, 1>}, {pipeline_mode = #tpu.pipeline_mode<synchronous>, transform_indices = @transform_8, window_bounds = array<i64: 1, 32>}, {transform_indices = @transform_9, window_bounds = array<i64: 100, 1, 32>}]} {
    %get3A = arith.constant 0 : index
    %get3A_0 = arith.constant 0 : index
    %get3A_1 = vector.load %arg1[%get3A, %get3A_0] : memref<4000x256xf32, #tpu.memory_space<vmem>>, vector<4000x256xf32>
    %get3A_2 = arith.constant 0 : index
    %get3A_3 = arith.constant 0 : index
    %get3A_4 = vector.load %arg3[%get3A_2, %get3A_3] : memref<32x256xf32, #tpu.memory_space<vmem>>, vector<32x256xf32>
    %dot_general3A = arith.constant dense<0.000000e+00> : vector<4000x32xf32>
    %dot_general3A_5 = tpu.matmul %get3A_1, %get3A_4, %dot_general3A {dimension_numbers = #tpu.dot_dimension_numbers<[1], [1], [0], [0], [0, 0, 1, 0], [], []>, transpose_lhs_hint = false} : vector<4000x256xf32>, vector<32x256xf32>, vector<4000x32xf32> -> vector<4000x32xf32>
    %iota3A = tpu.iota {dimensions = array<i32: 1>} : vector<100x4000xi32>
    %iota3A_6 = tpu.iota {dimensions = array<i32: 0>} : vector<100x4000xi32>
    %mul3A = arith.constant 40 : i32
    %mul3A_7 = vector.broadcast %mul3A : i32 to vector<100x4000xi32>
    %mul3A_8 = arith.muli %mul3A_7, %iota3A_6 : vector<100x4000xi32>
    %add3A = arith.constant 39 : i32
    %add3A_9 = vector.broadcast %add3A : i32 to vector<100x4000xi32>
    %add3A_10 = arith.addi %mul3A_8, %add3A_9 : vector<100x4000xi32>
    %eq3A = arith.cmpi eq, %iota3A, %add3A_10 : vector<100x4000xi32>
    %convert_element_type3A = arith.extui %eq3A : vector<100x4000xi1> to vector<100x4000xi32>
    %convert_element_type3A_11 = arith.sitofp %convert_element_type3A : vector<100x4000xi32> to vector<100x4000xf32>
    %ge3A = arith.cmpi sge, %iota3A, %mul3A_8 : vector<100x4000xi32>
    %add3A_12 = arith.constant 40 : i32
    %add3A_13 = vector.broadcast %add3A_12 : i32 to vector<100x4000xi32>
    %add3A_14 = arith.addi %mul3A_8, %add3A_13 : vector<100x4000xi32>
    %lt3A = arith.cmpi slt, %iota3A, %add3A_14 : vector<100x4000xi32>
    %and3A = arith.andi %ge3A, %lt3A : vector<100x4000xi1>
    %convert_element_type3A_15 = arith.extui %and3A : vector<100x4000xi1> to vector<100x4000xi32>
    %convert_element_type3A_16 = arith.sitofp %convert_element_type3A_15 : vector<100x4000xi32> to vector<100x4000xf32>
    %dot_general3A_17 = arith.constant dense<0.000000e+00> : vector<100x256xf32>
    %dot_general3A_18 = tpu.matmul %convert_element_type3A_11, %get3A_1, %dot_general3A_17 {dimension_numbers = #tpu.dot_dimension_numbers<[1], [0], [0], [1], [0, 0, 1, 1], [], []>, transpose_lhs_hint = false} : vector<100x4000xf32>, vector<4000x256xf32>, vector<100x256xf32> -> vector<100x256xf32>
    %get3A_19 = arith.constant 0 : index
    %get3A_20 = arith.constant 0 : index
    %get3A_21 = vector.load %arg2[%get3A_19, %get3A_20] : memref<32x256xf32, #tpu.memory_space<vmem>>, vector<32x256xf32>
    %dot_general3A_22 = arith.constant dense<0.000000e+00> : vector<100x32xf32>
    %dot_general3A_23 = tpu.matmul %dot_general3A_18, %get3A_21, %dot_general3A_22 {dimension_numbers = #tpu.dot_dimension_numbers<[1], [1], [0], [0], [0, 0, 1, 0], [], []>, transpose_lhs_hint = false} : vector<100x256xf32>, vector<32x256xf32>, vector<100x32xf32> -> vector<100x32xf32>
    %iota3A_24 = tpu.iota {dimensions = array<i32: 0>} : vector<4000x100xi32>
    %iota3A_25 = tpu.iota {dimensions = array<i32: 1>} : vector<4000x100xi32>
    %mul3A_26 = arith.constant 40 : i32
    %mul3A_27 = vector.broadcast %mul3A_26 : i32 to vector<4000x100xi32>
    %mul3A_28 = arith.muli %mul3A_27, %iota3A_25 : vector<4000x100xi32>
    %ge3A_29 = arith.cmpi sge, %iota3A_24, %mul3A_28 : vector<4000x100xi32>
    %add3A_30 = arith.constant 40 : i32
    %add3A_31 = vector.broadcast %add3A_30 : i32 to vector<4000x100xi32>
    %add3A_32 = arith.addi %mul3A_28, %add3A_31 : vector<4000x100xi32>
    %lt3A_33 = arith.cmpi slt, %iota3A_24, %add3A_32 : vector<4000x100xi32>
    %and3A_34 = arith.andi %ge3A_29, %lt3A_33 : vector<4000x100xi1>
    %convert_element_type3A_35 = arith.extui %and3A_34 : vector<4000x100xi1> to vector<4000x100xi32>
    %convert_element_type3A_36 = arith.sitofp %convert_element_type3A_35 : vector<4000x100xi32> to vector<4000x100xf32>
    %dot_general3A_37 = arith.constant dense<0.000000e+00> : vector<4000x32xf32>
    %dot_general3A_38 = tpu.matmul %convert_element_type3A_36, %dot_general3A_23, %dot_general3A_37 {dimension_numbers = #tpu.dot_dimension_numbers<[1], [0], [0], [1], [0, 0, 1, 1], [], []>, transpose_lhs_hint = false} : vector<4000x100xf32>, vector<100x32xf32>, vector<4000x32xf32> -> vector<4000x32xf32>
    %add3A_39 = arith.addf %dot_general3A_38, %dot_general3A_5 : vector<4000x32xf32>
    %get3A_40 = arith.constant 0 : index
    %get3A_41 = arith.constant 0 : index
    %get3A_42 = vector.load %arg6[%get3A_40, %get3A_41] : memref<1x32xf32, #tpu.memory_space<vmem>>, vector<1x32xf32>
    %add3A_43 = vector.broadcast %get3A_42 : vector<1x32xf32> to vector<4000x32xf32>
    %add3A_44 = arith.addf %add3A_39, %add3A_43 : vector<4000x32xf32>
    %get3A_45 = arith.constant 0 : index
    %get3A_46 = arith.constant 0 : index
    %get3A_47 = vector.load %arg7[%get3A_45, %get3A_46] : memref<1x32xf32, #tpu.memory_space<vmem>>, vector<1x32xf32>
    %add3A_48 = vector.broadcast %get3A_47 : vector<1x32xf32> to vector<4000x32xf32>
    %add3A_49 = arith.addf %add3A_44, %add3A_48 : vector<4000x32xf32>
    %logistic3A = arith.negf %add3A_49 : vector<4000x32xf32>
    %logistic3A_50 = math.exp %logistic3A : vector<4000x32xf32>
    %logistic3A_51 = arith.constant 1.000000e+00 : f32
    %logistic3A_52 = vector.broadcast %logistic3A_51 : f32 to vector<4000x32xf32>
    %logistic3A_53 = arith.addf %logistic3A_52, %logistic3A_50 : vector<4000x32xf32>
    %logistic3A_54 = arith.divf %logistic3A_52, %logistic3A_53 : vector<4000x32xf32>
    %get3A_55 = arith.constant 0 : index
    %get3A_56 = arith.constant 0 : index
    %get3A_57 = vector.load %arg4[%get3A_55, %get3A_56] : memref<1x32xf32, #tpu.memory_space<vmem>>, vector<1x32xf32>
    %mul3A_58 = vector.broadcast %get3A_57 : vector<1x32xf32> to vector<4000x32xf32>
    %mul3A_59 = arith.mulf %logistic3A_54, %mul3A_58 : vector<4000x32xf32>
    %reduce_sum3A = arith.constant dense<0.000000e+00> : vector<4000xf32>
    %reduce_sum3A_60 = vector.multi_reduction <add>, %mul3A_59, %reduce_sum3A [1] : vector<4000x32xf32> to vector<4000xf32>
    %broadcast_in_dim3A = vector.shape_cast %reduce_sum3A_60 : vector<4000xf32> to vector<4000x1xf32>
    %get3A_61 = arith.constant 0 : index
    %get3A_62 = arith.constant 0 : index
    %get3A_63 = vector.load %arg8[%get3A_61, %get3A_62] : memref<1x1xf32, #tpu.memory_space<vmem>>, vector<1x1xf32>
    %get3A_64 = vector.extract %get3A_63[0, 0] : f32 from vector<1x1xf32>
    %add3A_65 = vector.broadcast %get3A_64 : f32 to vector<4000x1xf32>
    %add3A_66 = arith.addf %broadcast_in_dim3A, %add3A_65 : vector<4000x1xf32>
    %mul3A_67 = vector.broadcast %add3A_66 : vector<4000x1xf32> to vector<4000x256xf32>
    %mul3A_68 = arith.mulf %mul3A_67, %get3A_1 : vector<4000x256xf32>
    %dot_general3A_69 = arith.constant dense<0.000000e+00> : vector<100x256xf32>
    %dot_general3A_70 = tpu.matmul %convert_element_type3A_16, %mul3A_68, %dot_general3A_69 {dimension_numbers = #tpu.dot_dimension_numbers<[1], [0], [0], [1], [0, 0, 1, 1], [], []>, transpose_lhs_hint = false} : vector<100x4000xf32>, vector<4000x256xf32>, vector<100x256xf32> -> vector<100x256xf32>
    %concatenate3A = tpu.concatenate %dot_general3A_18, %dot_general3A_70 in 1 : vector<100x256xf32>, vector<100x256xf32> -> vector<100x512xf32>
    %get3A_71 = arith.constant 0 : index
    %get3A_72 = arith.constant 0 : index
    %get3A_73 = vector.load %arg5[%get3A_71, %get3A_72] : memref<32x512xf32, #tpu.memory_space<vmem>>, vector<32x512xf32>
    %dot_general3A_74 = arith.constant dense<0.000000e+00> : vector<100x32xf32>
    %dot_general3A_75 = tpu.matmul %concatenate3A, %get3A_73, %dot_general3A_74 {dimension_numbers = #tpu.dot_dimension_numbers<[1], [1], [0], [0], [0, 0, 1, 0], [], []>, transpose_lhs_hint = false} : vector<100x512xf32>, vector<32x512xf32>, vector<100x32xf32> -> vector<100x32xf32>
    %get3A_76 = arith.constant 0 : index
    %get3A_77 = arith.constant 0 : index
    %get3A_78 = vector.load %arg9[%get3A_76, %get3A_77] : memref<1x32xf32, #tpu.memory_space<vmem>>, vector<1x32xf32>
    %add3A_79 = vector.broadcast %get3A_78 : vector<1x32xf32> to vector<100x32xf32>
    %add3A_80 = arith.addf %dot_general3A_75, %add3A_79 : vector<100x32xf32>
    %broadcast_in_dim3A_81 = vector.shape_cast %add3A_80 : vector<100x32xf32> to vector<100x1x32xf32>
    %swap3A = arith.constant 0 : index
    %swap3A_82 = arith.constant 0 : index
    %swap3A_83 = arith.constant 0 : index
    %swap3A_84 = vector.load %arg10[%swap3A, %swap3A_82, %swap3A_83] : memref<100x1x32xf32, #tpu.memory_space<vmem>>, vector<100x1x32xf32>
    tpu.vector_store %arg10[%swap3A, %swap3A_82, %swap3A_83], %broadcast_in_dim3A_81 {strides = array<i32>} : memref<100x1x32xf32, #tpu.memory_space<vmem>>, vector<100x1x32xf32>,
    return
  }
  func.func @transform_0(%arg0: i32) -> (i32, i32) {
    %c0_i32 = arith.constant 0 : i32
    %c0_i32_0 = arith.constant 0 : i32
    return %arg0, %c0_i32 : i32, i32
  }
  func.func @transform_1(%arg0: i32) -> (i32, i32) {
    %c0_i32 = arith.constant 0 : i32
    %c0_i32_0 = arith.constant 0 : i32
    %c0_i32_1 = arith.constant 0 : i32
    return %c0_i32, %c0_i32_0 : i32, i32
  }
  func.func @transform_2(%arg0: i32) -> (i32, i32) {
    %c0_i32 = arith.constant 0 : i32
    %c0_i32_0 = arith.constant 0 : i32
    %c0_i32_1 = arith.constant 0 : i32
    return %c0_i32, %c0_i32_0 : i32, i32
  }
  func.func @transform_3(%arg0: i32) -> (i32, i32) {
    %c0_i32 = arith.constant 0 : i32
    %c0_i32_0 = arith.constant 0 : i32
    %c0_i32_1 = arith.constant 0 : i32
    return %c0_i32, %c0_i32_0 : i32, i32
  }
  func.func @transform_4(%arg0: i32) -> (i32, i32) {
    %c0_i32 = arith.constant 0 : i32
    %c0_i32_0 = arith.constant 0 : i32
    %c0_i32_1 = arith.constant 0 : i32
    return %c0_i32, %c0_i32_0 : i32, i32
  }
  func.func @transform_5(%arg0: i32) -> (i32, i32) {
    %c0_i32 = arith.constant 0 : i32
    %c0_i32_0 = arith.constant 0 : i32
    %c0_i32_1 = arith.constant 0 : i32
    return %c0_i32, %c0_i32_0 : i32, i32
  }
  func.func @transform_6(%arg0: i32) -> (i32, i32) {
    %c0_i32 = arith.constant 0 : i32
    %c0_i32_0 = arith.constant 0 : i32
    %c0_i32_1 = arith.constant 0 : i32
    return %c0_i32, %c0_i32_0 : i32, i32
  }
  func.func @transform_7(%arg0: i32) -> (i32, i32) {
    %c0_i32 = arith.constant 0 : i32
    %c0_i32_0 = arith.constant 0 : i32
    %c0_i32_1 = arith.constant 0 : i32
    return %c0_i32, %c0_i32_0 : i32, i32
  }
  func.func @transform_8(%arg0: i32) -> (i32, i32) {
    %c0_i32 = arith.constant 0 : i32
    %c0_i32_0 = arith.constant 0 : i32
    %c0_i32_1 = arith.constant 0 : i32
    return %c0_i32, %c0_i32_0 : i32, i32
  }
  func.func @transform_9(%arg0: i32) -> (i32, i32, i32) {
    %c0_i32 = arith.constant 0 : i32
    %c0_i32_0 = arith.constant 0 : i32
    %c0_i32_1 = arith.constant 0 : i32
    return %arg0, %c0_i32, %c0_i32_0 : i32, i32, i32
  }
}

</mosaic_0001>

<sc_bundles>
// kernel: kernel.4.cloned.1.call-start
scs
__scs_entry_jumppad:
0x0: {  	(pc) =	sbr.rel $0x88, $3  }
0x1: {  	(tag) =	ssettag $0x0;
	lr =	simm.s32 $0x1  }
0x2: {  	[smem:$0x3F97] =	sst lr;
	_ =	strace $0xD0000000  }
0x3: {  	_ = 	snop  }
0x4: {  	_ = 	snop  }
0x5: {  	_ = 	snop  }
0x6: {  	_ = 	snop  }
0x7: {  	_ = 	snop  }
__scs_overlays_trampoline_lowered:
0x8: {  	[smem:$0x3FA6] =	sst s0  }
0x9: {  	[smem:$0x3FA7] =	sst s1  }
0xa: {  	[smem:$0x3FA8] =	sst s2  }
0xb: {  	[smem:$0x3FA9] =	sst s3  }
0xc: {  	[smem:$0x3FAA] =	sst s4  }
0xd: {  	[smem:$0x3FAB] =	sst s5  }
0xe: {  	[smem:$0x3FAC] =	sst s6  }
0xf: {  	[smem:$0x3FAD] =	sst s7  }
0x10: {  	[smem:$0x3FAE] =	sst s8  }
0x11: {  	[smem:$0x3FAF] =	sst s9;
	s0 =	simm.s32 @!p0 $0x0  }
0x12: {  	s1 =	sld [smem:$0x3F95];
	s0 =	simm.s32 @p0 $0x1  }
0x13: {  	[smem:$0x3FB0] =	sst s0;
	s0 =	simm.s32 @!p1 $0x0  }
0x14: {  	s2 =	sld [smem:$0x3F94];
	s0 =	simm.s32 @p1 $0x1  }
0x15: {  	[smem:$0x3FB1] =	sst s0;
	s0 =	simm.s32 @!p2 $0x0  }
0x16: {  	s3 =	sld [smem:$0x3FDB];
	s0 =	simm.s32 @p2 $0x1  }
0x17: {  	s4 =	simm.s32 $0x1BF5;
	[smem:$0x3FB3] =	sst s0  }
0x18: {  	s0 =	sld [smem:$0x3F96];
	_ =	swait.ge [sflag:s4], $0x0  }
0x19: {  	s7 =	sld [smem:$0x3F97]  }
0x1a: {  	s8 =	sadd.s32 $0xFFFFE003, lr  }
0x1b: {  	s9 =	sadd.s32 $0xFFFFFEF7, lr;
	s5 =	simm.s32 $0xFFFFFFFF;
	p2 =	slt.u32 s8, $0xFFFFF086  }
0x1c: {  	p1 =	slt.u32 s9, $0xF7A;
	s5 =	simm.s32 @!p2 $0x0  }
0x1d: {  	s5 =	simm.s32 @p1 $0x1;
	p0 =	seq.s32 s7, s2  }
0x1e: {  	s7 =	smul.u32 @!p0 $0xF7A, s2;
	p2 =	seq.s32 @!p0 s5, $0x0  }
0x1f: {  	s9 =	smul.u32 $0xF7A, s1;
	s8 =	simm.s32 @!p0 $0x1BF5;
	p2 =	por !p2, p0  }
0x20: {  	[sflag:s8] =	ssyncset.s32 @!p0 $0xFFFFF086;
	s6 =	sadd.s32 @!p0 s3, s7;
	s7 =	simm.s32 @!p0 $0x108  }
0x21: {  	s3 =	sadd.s32 s3, s9;
	s6 =	sadd.s32 @!p0 $0x88, s6;
	s7 =	simm.s32 @p2 $0x1082  }
0x22: {  	[simem:s7], [sflag:s8] =	dma.local @!p0 [hbm:s6], $0xF7A  }
0x23: {  	s9 =	sor.u32 $0xD0000000, s2;
	s6 =	simm.s32 $0x108;
	_ =	swait.ge @!p0 [sflag:s8], $0x0  }
0x24: {  	s3 =	sadd.s32 $0x88, s3;
	s6 =	simm.s32 @!p1 $0x1082;
	[sflag:s4] =	ssyncset.s32 $0xFFFFF086  }
0x25: {  	[simem:s6], [sflag:s4] =	dma.local [hbm:s3], $0xF7A  }
0x26: {  	[smem:$0x3F97] =	sst s1;
	(tag) =	ssettag s2;
	_ =	strace s9  }
0x27: {  	s1 =	sld [smem:$0x3FA7]  }
0x28: {  	s2 =	sld [smem:$0x3FA8]  }
0x29: {  	s4 =	sld [smem:$0x3FAA]  }
0x2a: {  	p0 =	seq.s32 s5, $0x0;
	s5 =	sld [smem:$0x3FAB]  }
0x2b: {  	s6 =	sld [smem:$0x3FAC]  }
0x2c: {  	s7 =	sld [smem:$0x3FAD]  }
0x2d: {  	s3 =	simm.s32 $0x108;
	s8 =	sld [smem:$0x3FAE]  }
0x2e: {  	s3 =	simm.s32 @!p0 $0x1082;
	s9 =	sld [smem:$0x3FAF]  }
0x2f: {  	lr =	sadd.s32 s0, s3;
	s0 =	sld [smem:$0x3FA6]  }
0x30: {  	s3 =	sld [smem:$0x3FA9]  }
0x31: {  	[smem:$0x3FB2] =	sst s10  }
0x32: {  	s10 =	sld [smem:$0x3FB0];
	_ =	sdelay $0x3  }
0x33: {  	p0 =	seq.s32 s10, $0x1;
	s10 =	sld [smem:$0x3FB2];
	_ =	sdelay $0x3  }
0x34: {  	[smem:$0x3FB2] =	sst s10  }
0x35: {  	s10 =	sld [smem:$0x3FB1];
	_ =	sdelay $0x3  }
0x36: {  	p1 =	seq.s32 s10, $0x1;
	s10 =	sld [smem:$0x3FB2];
	_ =	sdelay $0x3  }
0x37: {  	[smem:$0x3FB2] =	sst s10  }
0x38: {  	s10 =	sld [smem:$0x3FB3]  }
0x39: {  	_ = 	snop;
	(pc) =	sbr.ind lr, $3  }
0x3a: {  	_ = 	snop  }
0x3b: {  	_ = 	snop  }
0x3c: {  	p2 =	seq.s32 s10, $0x1;
	s10 =	sld [smem:$0x3FB2]  }
0x3d: {  	_ =	shalt  }
0x3e: {  	_ =	shalt  }
0x3f: {  	_ =	shalt  }
0x40: {  	_ =	shalt  }
0x41: {  	_ =	shalt  }
0x42: {  	_ =	shalt  }
0x43: {  	_ =	shalt  }
0x44: {  	_ =	shalt  }
0x45: {  	_ =	shalt  }
0x46: {  	_ =	shalt  }
0x47: {  	_ =	shalt  }
0x48: {  	_ =	shalt  }
0x49: {  	_ =	shalt  }
0x4a: {  	_ =	shalt  }
0x4b: {  	_ =	shalt  }
0x4c: {  	_ =	shalt  }
0x4d: {  	_ =	shalt  }
0x4e: {  	_ =	shalt  }
0x4f: {  	_ =	shalt  }
0x50: {  	_ =	shalt  }
0x51: {  	_ =	shalt  }
0x52: {  	_ =	shalt  }
0x53: {  	_ =	shalt  }
0x54: {  	_ =	shalt  }
0x55: {  	_ =	shalt  }
0x56: {  	_ =	shalt  }
0x57: {  	_ =	shalt  }
0x58: {  	_ =	shalt  }
0x59: {  	_ =	shalt  }
0x5a: {  	_ =	shalt  }
0x5b: {  	_ =	shalt  }
0x5c: {  	_ =	shalt  }
0x5d: {  	_ =	shalt  }
0x5e: {  	_ =	shalt  }
0x5f: {  	_ =	shalt  }
0x60: {  	_ =	shalt  }
0x61: {  	_ =	shalt  }
0x62: {  	_ =	shalt  }
0x63: {  	_ =	shalt  }
0x64: {  	_ =	shalt  }
0x65: {  	_ =	shalt  }
0x66: {  	_ =	shalt  }
0x67: {  	_ =	shalt  }
0x68: {  	_ =	shalt  }
0x69: {  	_ =	shalt  }
0x6a: {  	_ =	shalt  }
0x6b: {  	_ =	shalt  }
0x6c: {  	_ =	shalt  }
0x6d: {  	_ =	shalt  }
0x6e: {  	_ =	shalt  }
0x6f: {  	_ =	shalt  }
0x70: {  	_ =	shalt  }
0x71: {  	_ =	shalt  }
0x72: {  	_ =	shalt  }
0x73: {  	_ =	shalt  }
0x74: {  	_ =	shalt  }
0x75: {  	_ =	shalt  }
0x76: {  	_ =	shalt  }
0x77: {  	_ =	shalt  }
0x78: {  	_ =	shalt  }
0x79: {  	_ =	shalt  }
0x7a: {  	_ =	shalt  }
0x7b: {  	_ =	shalt  }
0x7c: {  	_ =	shalt  }
0x7d: {  	_ =	shalt  }
0x7e: {  	_ =	shalt  }
0x7f: {  	_ =	shalt  }
0x80: {  	_ =	shalt  }
0x81: {  	_ =	shalt  }
0x82: {  	_ =	shalt  }
0x83: {  	_ =	shalt  }
0x84: {  	_ =	shalt  }
0x85: {  	_ =	shalt  }
0x86: {  	_ =	shalt  }
0x87: {  	_ =	shalt  }
.Lfunc_end0:
.L_simem_size_0:
called_computation_lowered:
.L_overlay_start_0:
0x88: {  	s2 =	sld [smem:$0x3FD9]  }
0x89: {  	s3 =	sld [smem:$0x3FFE];
	_ =	sdelay $0x1  }
0x8a: {  	s1 =	srdreg.scid  }
0x8b: {  	s0 =	sand.u32 $0x1, s1  }
0x8c: {  	s17 =	sshll.u32 s0, $0xA;
	s2 =	sadd.s32 s3, s2  }
0x8d: {  	s2 =	sadd.s32 s2, s17  }
0x8e: {  	[smem:$0x3FBE] =	sst s2  }
0x8f: {  	_ = 	snop  }
0x90: {  	s2 =	sld [smem:$0x3FC9];
	(tm) =	ssettm $0x1  }
0x91: {  	s18 =	sld [smem:$0x3FFB];
	_ =	sdelay $0x3  }
0x92: {  	_ =	strace s18  }
0x93: {  	s3 =	sld [smem:$0x3FFC];
	_ =	sdelay $0x3  }
0x94: {  	_ =	strace s3  }
0x95: {  	s3 =	sld [smem:$0x3FFD];
	_ =	sdelay $0x3  }
0x96: {  	_ =	strace s3  }
0x97: {  	_ =	strace $0x8FFFFFFF  }
0x98: {  	s19 =	sld [smem:$0x3FDB];
	_ =	sdelay $0x1  }
0x99: {  	s4 =	simm.s32 $_scs_section_size  }
0x9a: {  	s5 =	simm.s32 $_size__tile_overlayer_lowered;
	s6 =	simm.s32 $_tile_overlayer_lowered  }
0x9b: {  	s22 =	simm.s32 $0x1BFF;
	s21 =	sshll.u32 s6, $0x1;
	s3 =	sadd.s32 s4, s19  }
0x9c: {  	s7 =	simm.s32 $0x0;
	s20 =	sshll.u32 s5, $0x1;
	s5 =	sadd.s32 s21, s3  }
0x9d: {  	[timem:s7], [sflag:s22] =	dma.local [hbm:s5], s20  }
0x9e: {  	_ =	swait.ge [sflag:s22], s20  }
0x9f: {  	s4 =	ssub.s32 $0x0, s20;
	[sflag:s22] =	ssyncset.done $0x0  }
0xa0: {  	[sflag:s22] =	ssyncadd.s32 s4;
	_ =	sdelay $0x1  }
0xa1: {  	s23 =	simm.s32 $0x1B8B  }
0xa2: {  	_ =	swait.ge [sflag:s23], $0x1  }
0xa3: {  	[sflag:s23] =	ssyncset.done $0x0  }
0xa4: {  	s25 =	simm.s32 $0x1B8E;
	s24 =	sld [smem:$0x3FFE];
	[sflag:s23] =	ssyncadd.s32 $0xFFFFFFFF  }
0xa5: {  	s26 =	simm.s32 $execute0_lowered;
	[smem:$0x3FD2] =	sst s25  }
0xa6: {  	s5 =	sshll.u32 s26, $0x1;
	_ =	strace $0x80000046;
	[dreg:$0x1] =	wrdreg $0xFFFFFFFF  }
0xa7: {  	s28 =	simm.s32 $_size_execute0_lowered;
	s3 =	sadd.s32 s3, s5;
	[dreg:$0x0] =	wrdreg $0x0  }
0xa8: {  	s5 =	sshll.u32 s28, $0x1;
	[dreg:$0x2] =	wrdreg s3  }
0xa9: {  	[dreg:$0x3] =	wrdreg s5  }
0xaa: {  	[dreg:$0x4] =	wrdreg $0xC0  }
0xab: {  	_ =	task [dreg:s7], $0x5FFFF  }
0xac: {  	[dreg:$0x1] =	wrdreg $0xFFFFFFFF  }
0xad: {  	[dreg:$0x0] =	wrdreg $0x60  }
0xae: {  	[dreg:$0x2] =	wrdreg s2  }
0xaf: {  	[dreg:$0x3] =	wrdreg s24  }
0xb0: {  	[dreg:$0x4] =	wrdreg $0x9  }
0xb1: {  	_ =	task.clear_ibuf [dreg:s7], $0x5FFFF;
	_ =	strace $0x90000046  }
0xb2: {  	s29 =	simm.s32 $0x9;
	_ =	strace $0x80000048  }
0xb3: {  	_ =	swait.ge [sflag:s29], $0x1  }
0xb4: {  	[sflag:s29] =	ssyncadd.s32 $0xFFFFFFFF  }
0xb5: {  	_ =	strace $0x90000048  }
0xb6: {  	_ =	sfence  }
0xb7: {  	s30 =	sld [smem:$0x0];
	_ =	sdelay $0x2  }
0xb8: {  	s31 =	sshll.u32 s1, $0xD;
	s1 =	sshrl.u32 s1, $0x2  }
0xb9: {  	s3 =	sand.u32 $0x4000, s31;
	s1 =	sadd.s32 s1, s30  }
0xba: {  	s0 =	sor.u32 s3, s0;
	s1 =	sshll.u32 s1, $0x11  }
0xbb: {  	s0 =	sor.u32 s1, s0  }
0xbc: {  	s0 =	sadd.s32 $0x8F2B, s0  }
0xbd: {  	[sflag:s0] =	ssyncadd.remote.s32 $0x1  }
0xbe: {  	_ =	sfence.sel $0xFFFF  }
0xbf: {  	[dreg:$0x0] =	wrdreg $0xFFFFFFFF;
	(pc) =	sbr.abs _section_cstart, $3  }
0xc0: {  	[dreg:$0x1] =	wrdreg $0xFFFFFFFF  }
0xc1: {  	_ =	task.clear_ibuf [dreg:s7], $0x2FFFF;
	_ =	strace $0x9FFFFFFF  }
0xc2: {  	(tm) =	ssettm $0x7FFFFFFF  }
0xc3: {  	_ =	shalt  }
tec
execute0_lowered:
.L_overlay_start_1:
0x0: {  	(tag) =	ssettag $0x1  }
0x1: {  	s1 =	srdreg.scid;
	s2 =	rddreg [dreg:$0x0]  }
0x2: {  	s0 =	stileid.u32;
	s5 =	rddreg [dreg:$0x1]  }
0x3: {  	s3 =	simm.s32 $0x0;
	s4 =	sand.u32 $0x1, s1;
	s15 =	sshll.u32 s0, $0x1  }
0x4: {  	s28 =	simm.s32 $0x880;
	s29 =	simm.s32 $0x1080;
	s1 =	sor.u32 s4, s15  }
0x5: {  	s30 =	simm.s32 $0x1880;
	s31 =	simm.s32 $0x2080;
	s11 =	smul.u32 $0x280, s1  }
0x6: {  	[smem:$0x7FF] =	sst s3;
	s13 =	sadd.s32 $0x1400, s5;
	s7 =	smul.u32 $0x5000, s1  }
0x7: {  	_ =	strace $0x80000047;
	s4 =	ssub.s32 $0x2, s4;
	s1 =	sadd.s32 $0x1E00, s5  }
0x8: {  	s0 =	sshrl.u32 s4, $0x1;
	s6 =	sshrl.u32 s11, $0x3;
	s17 =	sadd.s32 s1, s7  }
0x9: {  	s18 =	sor.u32 $0x28, s11;
	s20 =	sor.u32 $0x50, s11;
	s26 =	sor.u32 $0x78, s11  }
0xa: {  	s16 =	sadd.s32 s13, s6;
	[dreg:$0x4] =	wrdreg s17;
	s19 =	sshrl.u32 s18, $0x3  }
0xb: {  	s6 =	sshll.u32 s18, $0x5;
	s22 =	sshrl.u32 s20, $0x3;
	s24 =	sshll.u32 s20, $0x5  }
0xc: {  	s8 =	sshrl.u32 s26, $0x3;
	[dreg:$0x3] =	wrdreg s16;
	s5 =	sadd.s32 s13, s19  }
0xd: {  	s21 =	sadd.s32 s1, s6;
	s23 =	sadd.s32 s13, s22;
	[dreg:$0x5] =	wrdreg s5  }
0xe: {  	s25 =	sadd.s32 s1, s24;
	s6 =	sshll.u32 s26, $0x5;
	[dreg:$0x6] =	wrdreg s21  }
0xf: {  	s16 =	sadd.s32 $0xC8, s11;
	s24 =	ssub.s32 s4, s0;
	[dreg:$0x7] =	wrdreg s23  }
0x10: {  	[dreg:$0x8] =	wrdreg s25;
	s5 =	sadd.s32 s13, s8;
	s8 =	sadd.s32 $0xA0, s11  }
0x11: {  	s9 =	sadd.s32 s1, s6;
	s17 =	sshrl.u32 s16, $0x3;
	s18 =	sshll.u32 s16, $0x5  }
0x12: {  	s16 =	sadd.s32 $0x140, s11;
	s24 =	smax.u32 s24, $0x1;
	[dreg:$0x9] =	wrdreg s5  }
0x13: {  	s10 =	sshrl.u32 s8, $0x3;
	[dreg:$0xa] =	wrdreg s9;
	s14 =	sshll.u32 s8, $0x5  }
0x14: {  	s4 =	sadd.s32 s13, s17;
	s19 =	sadd.s32 s1, s18;
	s17 =	sadd.s32 $0x168, s11  }
0x15: {  	s22 =	sshrl.u32 s16, $0x3;
	s18 =	sadd.s32 $0x190, s11;
	s16 =	sshll.u32 s16, $0x5  }
0x16: {  	s12 =	sadd.s32 s13, s10;
	s15 =	sadd.s32 s1, s14;
	[dreg:$0xd] =	wrdreg s4  }
0x17: {  	s14 =	sadd.s32 $0xF0, s11;
	[dreg:$0xe] =	wrdreg s19;
	s23 =	sshrl.u32 s17, $0x3  }
0x18: {  	s6 =	sadd.s32 s13, s22;
	s25 =	sshrl.u32 s18, $0x3;
	s19 =	sadd.s32 $0x1B8, s11  }
0x19: {  	s22 =	sadd.s32 $0x230, s11;
	s16 =	sadd.s32 s1, s16;
	[dreg:$0xb] =	wrdreg s12  }
0x1a: {  	s17 =	sshll.u32 s17, $0x5;
	s18 =	sshll.u32 s18, $0x5;
	[dreg:$0xc] =	wrdreg s15  }
0x1b: {  	s20 =	sshrl.u32 s14, $0x3;
	s15 =	sadd.s32 $0x118, s11;
	s7 =	sadd.s32 s13, s23  }
0x1c: {  	s8 =	sadd.s32 s13, s25;
	s9 =	sshrl.u32 s19, $0x3;
	s23 =	sadd.s32 $0x258, s11  }
0x1d: {  	s26 =	sshrl.u32 s22, $0x3;
	s14 =	sshll.u32 s14, $0x5;
	s17 =	sadd.s32 s1, s17  }
0x1e: {  	s19 =	sshll.u32 s19, $0x5;
	s18 =	sadd.s32 s1, s18;
	s22 =	sshll.u32 s22, $0x5  }
0x1f: {  	s4 =	sadd.s32 s13, s20;
	s21 =	sshrl.u32 s15, $0x3;
	s20 =	sadd.s32 $0x1E0, s11  }
0x20: {  	s9 =	sadd.s32 s13, s9;
	s25 =	sshrl.u32 s23, $0x3;
	s14 =	sadd.s32 s1, s14  }
0x21: {  	s15 =	sshll.u32 s15, $0x5;
	s19 =	sadd.s32 s1, s19;
	s22 =	sadd.s32 s1, s22  }
0x22: {  	s23 =	sshll.u32 s23, $0x5;
	s5 =	sadd.s32 s13, s21;
	s10 =	sshrl.u32 s20, $0x3  }
0x23: {  	s21 =	sadd.s32 $0x208, s11;
	s15 =	sadd.s32 s1, s15;
	s20 =	sshll.u32 s20, $0x5  }
0x24: {  	s23 =	sadd.s32 s1, s23;
	s10 =	sadd.s32 s13, s10;
	s12 =	sshrl.u32 s21, $0x3  }
0x25: {  	v2 =	vlaneseq.u32;
	s20 =	sadd.s32 s1, s20;
	s21 =	sshll.u32 s21, $0x5;
	s11 =	sadd.s32 s13, s12  }
0x26: {  	vm0 =	vmmov $0xffff;
	v1 =	vshrl.u32 v2, $0x3;
	s12 =	sadd.s32 s13, s26;
	s13 =	sadd.s32 s13, s25;
	s21 =	sadd.s32 s1, s21  }
0x27: {  	v0 =	vand.u32 $0x7, v2;
	v2 =	vor.u32 $0x8, v2;
	v1 =	vmul.u32 $0x8, v1;
	s25 =	simm.s32 $0x2;
	s26 =	simm.s32 $0x80;
	s1 =	simm.s32 $0x1  }
.LBB2_1:
0x28: {  	s0 =	rddreg [dreg:$0x3]  }
0x29: {  	[tilespmem:s3], [sflag:$0x2] =	stream.linear.gather [hbm4b:s0+s3], $0x28, $0x38;
	[tilespmem:$0x2880] =	vst v63  }
0x2a: {  	_ =	swait.ge [sflag:s25], $0x28  }
0x2b: {  	[sflag:s25] =	ssyncset.done $0x0  }
0x2c: {  	[sflag:s25] =	ssyncadd.s32 $0xFFFFFFD8  }
0x2d: {  	v3 =	vld [tilespmem:$0x0];
	_ =	sdelay $0x4  }
0x2e: {  	v4 =	vshll.u32 v3, $0x1  }
0x2f: {  	v3 =	vand.u32 $0x7, v3;
	v4 =	vand.u32 $0xFFFFFFF0, v4  }
0x30: {  	v3 =	vor.u32 v3, v4  }
0x31: {  	v4 =	vperm.xlane v3, v0;
	_ =	sdelay $0x1  }
0x32: {  	v3 =	vperm.xlane v3, v2;
	v4 =	vadd.s32 v1, v4;
	_ =	sdelay $0x1  }
0x33: {  	v3 =	vadd.s32 v1, v3;
	_ =	sdelay $0x2  }
0x34: {  	[tilespmem:s26], [sflag:$0x1] =	stream.indirect_vreg.gather [hbm4b:s2+s3], $0x80, v4, vm0, $0xb8;
	[tilespmem:$0x2880] =	vst v63  }
0x35: {  	_ = 	snop  }
0x36: {  	[tilespmem:s28], [sflag:$0x1] =	stream.indirect_vreg.gather [hbm4b:s2+s3], $0x80, v3, vm0, $0xb8;
	[tilespmem:$0x2880] =	vst v63  }
0x37: {  	v3 =	vld [tilespmem:$0x10];
	_ =	sdelay $0x4  }
0x38: {  	v17 =	vshll.u32 v3, $0x1  }
0x39: {  	v3 =	vand.u32 $0x7, v3;
	v4 =	vand.u32 $0xFFFFFFF0, v17  }
0x3a: {  	v3 =	vor.u32 v3, v4  }
0x3b: {  	v4 =	vperm.xlane v3, v0;
	_ =	sdelay $0x1  }
0x3c: {  	v3 =	vperm.xlane v3, v2;
	v4 =	vadd.s32 v1, v4;
	_ =	sdelay $0x1  }
0x3d: {  	v3 =	vadd.s32 v1, v3;
	_ =	sdelay $0x2  }
0x3e: {  	[tilespmem:s29], [sflag:$0x1] =	stream.indirect_vreg.gather [hbm4b:s2+s3], $0x80, v4, vm0, $0xb8;
	[tilespmem:$0x2880] =	vst v63  }
0x3f: {  	_ = 	snop  }
0x40: {  	[tilespmem:s30], [sflag:$0x1] =	stream.indirect_vreg.gather [hbm4b:s2+s3], $0x80, v3, vm0, $0xb8;
	[tilespmem:$0x2880] =	vst v63  }
0x41: {  	v3 =	vld.msk [tilespmem:$0x20], $0xff;
	_ =	sdelay $0x4  }
0x42: {  	v18 =	vshll.u32 v3, $0x1  }
0x43: {  	v3 =	vand.u32 $0x7, v3;
	v4 =	vand.u32 $0xFFFFFFF0, v18  }
0x44: {  	v3 =	vor.u32 v3, v4  }
0x45: {  	v3 =	vperm.xlane v3, v0;
	_ =	sdelay $0x1  }
0x46: {  	v3 =	vadd.s32 v1, v3;
	_ =	sdelay $0x4  }
0x47: {  	[tilespmem:s31], [sflag:$0x1] =	stream.indirect_vreg.gather [hbm4b:s2+s3], $0x80, v3, vm0, $0xb8;
	[tilespmem:$0x2880] =	vst v63  }
0x48: {  	_ =	swait.ge [sflag:s1], $0x2800  }
0x49: {  	[sflag:s1] =	ssyncset.done $0x0  }
0x4a: {  	s0 =	rddreg [dreg:$0x4];
	[sflag:s1] =	ssyncadd.s32 $0xFFFFD800  }
0x4b: {  	[hbm4b:s0+s3] =	stream.linear.scatter [tilespmem:s26], [sflag:$0x2], $0x2800, $0x38;
	[tilespmem:$0x2880] =	vst v63  }
0x4c: {  	_ =	swait.ge [sflag:s25], $0x2800  }
0x4d: {  	[sflag:s25] =	ssyncset.done $0x0  }
0x4e: {  	s0 =	rddreg [dreg:$0x5];
	[sflag:s25] =	ssyncadd.s32 $0xFFFFD800  }
0x4f: {  	[tilespmem:s3], [sflag:$0x2] =	stream.linear.gather [hbm4b:s0+s3], $0x28, $0x38;
	[tilespmem:$0x2880] =	vst v63  }
0x50: {  	_ =	swait.ge [sflag:s25], $0x28  }
0x51: {  	[sflag:s25] =	ssyncset.done $0x0  }
0x52: {  	[sflag:s25] =	ssyncadd.s32 $0xFFFFFFD8  }
0x53: {  	v3 =	vld [tilespmem:$0x0];
	_ =	sdelay $0x4  }
0x54: {  	v19 =	vshll.u32 v3, $0x1  }
0x55: {  	v3 =	vand.u32 $0x7, v3;
	v4 =	vand.u32 $0xFFFFFFF0, v19  }
0x56: {  	v3 =	vor.u32 v3, v4  }
0x57: {  	v4 =	vperm.xlane v3, v0;
	_ =	sdelay $0x1  }
0x58: {  	v3 =	vperm.xlane v3, v2;
	v4 =	vadd.s32 v1, v4;
	_ =	sdelay $0x1  }
0x59: {  	v3 =	vadd.s32 v1, v3;
	_ =	sdelay $0x2  }
0x5a: {  	[tilespmem:s26], [sflag:$0x1] =	stream.indirect_vreg.gather [hbm4b:s2+s3], $0x80, v4, vm0, $0xb8;
	[tilespmem:$0x2880] =	vst v63  }
0x5b: {  	_ = 	snop  }
0x5c: {  	[tilespmem:s28], [sflag:$0x1] =	stream.indirect_vreg.gather [hbm4b:s2+s3], $0x80, v3, vm0, $0xb8;
	[tilespmem:$0x2880] =	vst v63  }
0x5d: {  	v3 =	vld [tilespmem:$0x10];
	_ =	sdelay $0x4  }
0x5e: {  	v20 =	vshll.u32 v3, $0x1  }
0x5f: {  	v3 =	vand.u32 $0x7, v3;
	v4 =	vand.u32 $0xFFFFFFF0, v20  }
0x60: {  	v3 =	vor.u32 v3, v4  }
0x61: {  	v4 =	vperm.xlane v3, v0;
	_ =	sdelay $0x1  }
0x62: {  	v3 =	vperm.xlane v3, v2;
	v4 =	vadd.s32 v1, v4;
	_ =	sdelay $0x1  }
0x63: {  	v3 =	vadd.s32 v1, v3;
	_ =	sdelay $0x2  }
0x64: {  	[tilespmem:s29], [sflag:$0x1] =	stream.indirect_vreg.gather [hbm4b:s2+s3], $0x80, v4, vm0, $0xb8;
	[tilespmem:$0x2880] =	vst v63  }
0x65: {  	_ = 	snop  }
0x66: {  	[tilespmem:s30], [sflag:$0x1] =	stream.indirect_vreg.gather [hbm4b:s2+s3], $0x80, v3, vm0, $0xb8;
	[tilespmem:$0x2880] =	vst v63  }
0x67: {  	v3 =	vld.msk [tilespmem:$0x20], $0xff;
	_ =	sdelay $0x4  }
0x68: {  	v21 =	vshll.u32 v3, $0x1  }
0x69: {  	v3 =	vand.u32 $0x7, v3;
	v4 =	vand.u32 $0xFFFFFFF0, v21  }
0x6a: {  	v3 =	vor.u32 v3, v4  }
0x6b: {  	v3 =	vperm.xlane v3, v0;
	_ =	sdelay $0x1  }
0x6c: {  	v3 =	vadd.s32 v1, v3;
	_ =	sdelay $0x4  }
0x6d: {  	[tilespmem:s31], [sflag:$0x1] =	stream.indirect_vreg.gather [hbm4b:s2+s3], $0x80, v3, vm0, $0xb8;
	[tilespmem:$0x2880] =	vst v63  }
0x6e: {  	_ =	swait.ge [sflag:s1], $0x2800  }
0x6f: {  	[sflag:s1] =	ssyncset.done $0x0  }
0x70: {  	s0 =	rddreg [dreg:$0x6];
	[sflag:s1] =	ssyncadd.s32 $0xFFFFD800  }
0x71: {  	[hbm4b:s0+s3] =	stream.linear.scatter [tilespmem:s26], [sflag:$0x2], $0x2800, $0x38;
	[tilespmem:$0x2880] =	vst v63  }
0x72: {  	_ =	swait.ge [sflag:s25], $0x2800  }
0x73: {  	[sflag:s25] =	ssyncset.done $0x0  }
0x74: {  	s0 =	rddreg [dreg:$0x7];
	[sflag:s25] =	ssyncadd.s32 $0xFFFFD800  }
0x75: {  	[tilespmem:s3], [sflag:$0x2] =	stream.linear.gather [hbm4b:s0+s3], $0x28, $0x38;
	[tilespmem:$0x2880] =	vst v63  }
0x76: {  	_ =	swait.ge [sflag:s25], $0x28  }
0x77: {  	[sflag:s25] =	ssyncset.done $0x0  }
0x78: {  	[sflag:s25] =	ssyncadd.s32 $0xFFFFFFD8  }
0x79: {  	v3 =	vld [tilespmem:$0x0];
	_ =	sdelay $0x4  }
0x7a: {  	v22 =	vshll.u32 v3, $0x1  }
0x7b: {  	v3 =	vand.u32 $0x7, v3;
	v4 =	vand.u32 $0xFFFFFFF0, v22  }
0x7c: {  	v3 =	vor.u32 v3, v4  }
0x7d: {  	v4 =	vperm.xlane v3, v0;
	_ =	sdelay $0x1  }
0x7e: {  	v3 =	vperm.xlane v3, v2;
	v4 =	vadd.s32 v1, v4;
	_ =	sdelay $0x1  }
0x7f: {  	v3 =	vadd.s32 v1, v3;
	_ =	sdelay $0x2  }
0x80: {  	[tilespmem:s26], [sflag:$0x1] =	stream.indirect_vreg.gather [hbm4b:s2+s3], $0x80, v4, vm0, $0xb8;
	[tilespmem:$0x2880] =	vst v63  }
0x81: {  	_ = 	snop  }
0x82: {  	[tilespmem:s28], [sflag:$0x1] =	stream.indirect_vreg.gather [hbm4b:s2+s3], $0x80, v3, vm0, $0xb8;
	[tilespmem:$0x2880] =	vst v63  }
0x83: {  	v3 =	vld [tilespmem:$0x10];
	_ =	sdelay $0x4  }
0x84: {  	v23 =	vshll.u32 v3, $0x1  }
0x85: {  	v3 =	vand.u32 $0x7, v3;
	v4 =	vand.u32 $0xFFFFFFF0, v23  }
0x86: {  	v3 =	vor.u32 v3, v4  }
0x87: {  	v4 =	vperm.xlane v3, v0;
	_ =	sdelay $0x1  }
0x88: {  	v3 =	vperm.xlane v3, v2;
	v4 =	vadd.s32 v1, v4;
	_ =	sdelay $0x1  }
0x89: {  	v3 =	vadd.s32 v1, v3;
	_ =	sdelay $0x2  }
0x8a: {  	[tilespmem:s29], [sflag:$0x1] =	stream.indirect_vreg.gather [hbm4b:s2+s3], $0x80, v4, vm0, $0xb8;
	[tilespmem:$0x2880] =	vst v63  }
0x8b: {  	_ = 	snop  }
0x8c: {  	[tilespmem:s30], [sflag:$0x1] =	stream.indirect_vreg.gather [hbm4b:s2+s3], $0x80, v3, vm0, $0xb8;
	[tilespmem:$0x2880] =	vst v63  }
0x8d: {  	v3 =	vld.msk [tilespmem:$0x20], $0xff;
	_ =	sdelay $0x4  }
0x8e: {  	v24 =	vshll.u32 v3, $0x1  }
0x8f: {  	v3 =	vand.u32 $0x7, v3;
	v4 =	vand.u32 $0xFFFFFFF0, v24  }
0x90: {  	v3 =	vor.u32 v3, v4  }
0x91: {  	v3 =	vperm.xlane v3, v0;
	_ =	sdelay $0x1  }
0x92: {  	v3 =	vadd.s32 v1, v3;
	_ =	sdelay $0x4  }
0x93: {  	[tilespmem:s31], [sflag:$0x1] =	stream.indirect_vreg.gather [hbm4b:s2+s3], $0x80, v3, vm0, $0xb8;
	[tilespmem:$0x2880] =	vst v63  }
0x94: {  	_ =	swait.ge [sflag:s1], $0x2800  }
0x95: {  	[sflag:s1] =	ssyncset.done $0x0  }
0x96: {  	s0 =	rddreg [dreg:$0x8];
	[sflag:s1] =	ssyncadd.s32 $0xFFFFD800  }
0x97: {  	[hbm4b:s0+s3] =	stream.linear.scatter [tilespmem:s26], [sflag:$0x2], $0x2800, $0x38;
	[tilespmem:$0x2880] =	vst v63  }
0x98: {  	_ =	swait.ge [sflag:s25], $0x2800  }
0x99: {  	[sflag:s25] =	ssyncset.done $0x0  }
0x9a: {  	s0 =	rddreg [dreg:$0x9];
	[sflag:s25] =	ssyncadd.s32 $0xFFFFD800  }
0x9b: {  	[tilespmem:s3], [sflag:$0x2] =	stream.linear.gather [hbm4b:s0+s3], $0x28, $0x38;
	[tilespmem:$0x2880] =	vst v63  }
0x9c: {  	_ =	swait.ge [sflag:s25], $0x28  }
0x9d: {  	[sflag:s25] =	ssyncset.done $0x0  }
0x9e: {  	[sflag:s25] =	ssyncadd.s32 $0xFFFFFFD8  }
0x9f: {  	v3 =	vld [tilespmem:$0x0];
	_ =	sdelay $0x4  }
0xa0: {  	v25 =	vshll.u32 v3, $0x1  }
0xa1: {  	v3 =	vand.u32 $0x7, v3;
	v4 =	vand.u32 $0xFFFFFFF0, v25  }
0xa2: {  	v3 =	vor.u32 v3, v4  }
0xa3: {  	v4 =	vperm.xlane v3, v0;
	_ =	sdelay $0x1  }
0xa4: {  	v3 =	vperm.xlane v3, v2;
	v4 =	vadd.s32 v1, v4;
	_ =	sdelay $0x1  }
0xa5: {  	v3 =	vadd.s32 v1, v3;
	_ =	sdelay $0x2  }
0xa6: {  	[tilespmem:s26], [sflag:$0x1] =	stream.indirect_vreg.gather [hbm4b:s2+s3], $0x80, v4, vm0, $0xb8;
	[tilespmem:$0x2880] =	vst v63  }
0xa7: {  	_ = 	snop  }
0xa8: {  	[tilespmem:s28], [sflag:$0x1] =	stream.indirect_vreg.gather [hbm4b:s2+s3], $0x80, v3, vm0, $0xb8;
	[tilespmem:$0x2880] =	vst v63  }
0xa9: {  	v3 =	vld [tilespmem:$0x10];
	_ =	sdelay $0x4  }
0xaa: {  	v26 =	vshll.u32 v3, $0x1  }
0xab: {  	v3 =	vand.u32 $0x7, v3;
	v4 =	vand.u32 $0xFFFFFFF0, v26  }
0xac: {  	v3 =	vor.u32 v3, v4  }
0xad: {  	v4 =	vperm.xlane v3, v0;
	_ =	sdelay $0x1  }
0xae: {  	v3 =	vperm.xlane v3, v2;
	v4 =	vadd.s32 v1, v4;
	_ =	sdelay $0x1  }
0xaf: {  	v3 =	vadd.s32 v1, v3;
	_ =	sdelay $0x2  }
0xb0: {  	[tilespmem:s29], [sflag:$0x1] =	stream.indirect_vreg.gather [hbm4b:s2+s3], $0x80, v4, vm0, $0xb8;
	[tilespmem:$0x2880] =	vst v63  }
0xb1: {  	_ = 	snop  }
0xb2: {  	[tilespmem:s30], [sflag:$0x1] =	stream.indirect_vreg.gather [hbm4b:s2+s3], $0x80, v3, vm0, $0xb8;
	[tilespmem:$0x2880] =	vst v63  }
0xb3: {  	v3 =	vld.msk [tilespmem:$0x20], $0xff;
	_ =	sdelay $0x4  }
0xb4: {  	v27 =	vshll.u32 v3, $0x1  }
0xb5: {  	v3 =	vand.u32 $0x7, v3;
	v4 =	vand.u32 $0xFFFFFFF0, v27  }
0xb6: {  	v3 =	vor.u32 v3, v4  }
0xb7: {  	v3 =	vperm.xlane v3, v0;
	_ =	sdelay $0x1  }
0xb8: {  	v3 =	vadd.s32 v1, v3;
	_ =	sdelay $0x4  }
0xb9: {  	[tilespmem:s31], [sflag:$0x1] =	stream.indirect_vreg.gather [hbm4b:s2+s3], $0x80, v3, vm0, $0xb8;
	[tilespmem:$0x2880] =	vst v63  }
0xba: {  	_ =	swait.ge [sflag:s1], $0x2800  }
0xbb: {  	[sflag:s1] =	ssyncset.done $0x0  }
0xbc: {  	s0 =	rddreg [dreg:$0xa];
	[sflag:s1] =	ssyncadd.s32 $0xFFFFD800  }
0xbd: {  	[hbm4b:s0+s3] =	stream.linear.scatter [tilespmem:s26], [sflag:$0x2], $0x2800, $0x38;
	[tilespmem:$0x2880] =	vst v63  }
0xbe: {  	_ =	swait.ge [sflag:s25], $0x2800  }
0xbf: {  	[sflag:s25] =	ssyncset.done $0x0  }
0xc0: {  	s0 =	rddreg [dreg:$0xb];
	[sflag:s25] =	ssyncadd.s32 $0xFFFFD800  }
0xc1: {  	[tilespmem:s3], [sflag:$0x2] =	stream.linear.gather [hbm4b:s0+s3], $0x28, $0x38;
	[tilespmem:$0x2880] =	vst v63  }
0xc2: {  	_ =	swait.ge [sflag:s25], $0x28  }
0xc3: {  	[sflag:s25] =	ssyncset.done $0x0  }
0xc4: {  	[sflag:s25] =	ssyncadd.s32 $0xFFFFFFD8  }
0xc5: {  	v3 =	vld [tilespmem:$0x0];
	_ =	sdelay $0x4  }
0xc6: {  	v28 =	vshll.u32 v3, $0x1  }
0xc7: {  	v3 =	vand.u32 $0x7, v3;
	v4 =	vand.u32 $0xFFFFFFF0, v28  }
0xc8: {  	v3 =	vor.u32 v3, v4  }
0xc9: {  	v4 =	vperm.xlane v3, v0;
	_ =	sdelay $0x1  }
0xca: {  	v3 =	vperm.xlane v3, v2;
	v4 =	vadd.s32 v1, v4;
	_ =	sdelay $0x1  }
0xcb: {  	v3 =	vadd.s32 v1, v3;
	_ =	sdelay $0x2  }
0xcc: {  	[tilespmem:s26], [sflag:$0x1] =	stream.indirect_vreg.gather [hbm4b:s2+s3], $0x80, v4, vm0, $0xb8;
	[tilespmem:$0x2880] =	vst v63  }
0xcd: {  	_ = 	snop  }
0xce: {  	[tilespmem:s28], [sflag:$0x1] =	stream.indirect_vreg.gather [hbm4b:s2+s3], $0x80, v3, vm0, $0xb8;
	[tilespmem:$0x2880] =	vst v63  }
0xcf: {  	v3 =	vld [tilespmem:$0x10];
	_ =	sdelay $0x4  }
0xd0: {  	v29 =	vshll.u32 v3, $0x1  }
0xd1: {  	v3 =	vand.u32 $0x7, v3;
	v4 =	vand.u32 $0xFFFFFFF0, v29  }
0xd2: {  	v3 =	vor.u32 v3, v4  }
0xd3: {  	v4 =	vperm.xlane v3, v0;
	_ =	sdelay $0x1  }
0xd4: {  	v3 =	vperm.xlane v3, v2;
	v4 =	vadd.s32 v1, v4;
	_ =	sdelay $0x1  }
0xd5: {  	v3 =	vadd.s32 v1, v3;
	_ =	sdelay $0x2  }
0xd6: {  	[tilespmem:s29], [sflag:$0x1] =	stream.indirect_vreg.gather [hbm4b:s2+s3], $0x80, v4, vm0, $0xb8;
	[tilespmem:$0x2880] =	vst v63  }
0xd7: {  	_ = 	snop  }
0xd8: {  	[tilespmem:s30], [sflag:$0x1] =	stream.indirect_vreg.gather [hbm4b:s2+s3], $0x80, v3, vm0, $0xb8;
	[tilespmem:$0x2880] =	vst v63  }
0xd9: {  	v3 =	vld.msk [tilespmem:$0x20], $0xff;
	_ =	sdelay $0x4  }
0xda: {  	v30 =	vshll.u32 v3, $0x1  }
0xdb: {  	v3 =	vand.u32 $0x7, v3;
	v4 =	vand.u32 $0xFFFFFFF0, v30  }
0xdc: {  	v3 =	vor.u32 v3, v4  }
0xdd: {  	v3 =	vperm.xlane v3, v0;
	_ =	sdelay $0x1  }
0xde: {  	v3 =	vadd.s32 v1, v3;
	_ =	sdelay $0x4  }
0xdf: {  	[tilespmem:s31], [sflag:$0x1] =	stream.indirect_vreg.gather [hbm4b:s2+s3], $0x80, v3, vm0, $0xb8;
	[tilespmem:$0x2880] =	vst v63  }
0xe0: {  	_ =	swait.ge [sflag:s1], $0x2800  }
0xe1: {  	[sflag:s1] =	ssyncset.done $0x0  }
0xe2: {  	s0 =	rddreg [dreg:$0xc];
	[sflag:s1] =	ssyncadd.s32 $0xFFFFD800  }
0xe3: {  	[hbm4b:s0+s3] =	stream.linear.scatter [tilespmem:s26], [sflag:$0x2], $0x2800, $0x38;
	[tilespmem:$0x2880] =	vst v63  }
0xe4: {  	_ =	swait.ge [sflag:s25], $0x2800  }
0xe5: {  	[sflag:s25] =	ssyncset.done $0x0  }
0xe6: {  	s0 =	rddreg [dreg:$0xd];
	[sflag:s25] =	ssyncadd.s32 $0xFFFFD800  }
0xe7: {  	[tilespmem:s3], [sflag:$0x2] =	stream.linear.gather [hbm4b:s0+s3], $0x28, $0x38;
	[tilespmem:$0x2880] =	vst v63  }
0xe8: {  	_ =	swait.ge [sflag:s25], $0x28  }
0xe9: {  	[sflag:s25] =	ssyncset.done $0x0  }
0xea: {  	[sflag:s25] =	ssyncadd.s32 $0xFFFFFFD8  }
0xeb: {  	v3 =	vld [tilespmem:$0x0];
	_ =	sdelay $0x4  }
0xec: {  	v31 =	vshll.u32 v3, $0x1  }
0xed: {  	v3 =	vand.u32 $0x7, v3;
	v4 =	vand.u32 $0xFFFFFFF0, v31  }
0xee: {  	v3 =	vor.u32 v3, v4  }
0xef: {  	v4 =	vperm.xlane v3, v0;
	_ =	sdelay $0x1  }
0xf0: {  	v3 =	vperm.xlane v3, v2;
	v4 =	vadd.s32 v1, v4;
	_ =	sdelay $0x1  }
0xf1: {  	v3 =	vadd.s32 v1, v3;
	_ =	sdelay $0x2  }
0xf2: {  	[tilespmem:s26], [sflag:$0x1] =	stream.indirect_vreg.gather [hbm4b:s2+s3], $0x80, v4, vm0, $0xb8;
	[tilespmem:$0x2880] =	vst v63  }
0xf3: {  	_ = 	snop  }
0xf4: {  	[tilespmem:s28], [sflag:$0x1] =	stream.indirect_vreg.gather [hbm4b:s2+s3], $0x80, v3, vm0, $0xb8;
	[tilespmem:$0x2880] =	vst v63  }
0xf5: {  	v3 =	vld [tilespmem:$0x10];
	_ =	sdelay $0x4  }
0xf6: {  	v32 =	vshll.u32 v3, $0x1  }
0xf7: {  	v3 =	vand.u32 $0x7, v3;
	v4 =	vand.u32 $0xFFFFFFF0, v32  }
0xf8: {  	v3 =	vor.u32 v3, v4  }
0xf9: {  	v4 =	vperm.xlane v3, v0;
	_ =	sdelay $0x1  }
0xfa: {  	v3 =	vperm.xlane v3, v2;
	v4 =	vadd.s32 v1, v4;
	_ =	sdelay $0x1  }
0xfb: {  	v3 =	vadd.s32 v1, v3;
	_ =	sdelay $0x2  }
0xfc: {  	[tilespmem:s29], [sflag:$0x1] =	stream.indirect_vreg.gather [hbm4b:s2+s3], $0x80, v4, vm0, $0xb8;
	[tilespmem:$0x2880] =	vst v63  }
0xfd: {  	_ = 	snop  }
0xfe: {  	[tilespmem:s30], [sflag:$0x1] =	stream.indirect_vreg.gather [hbm4b:s2+s3], $0x80, v3, vm0, $0xb8;
	[tilespmem:$0x2880] =	vst v63  }
0xff: {  	v3 =	vld.msk [tilespmem:$0x20], $0xff;
	_ =	sdelay $0x4  }
0x100: {  	v33 =	vshll.u32 v3, $0x1  }
0x101: {  	v3 =	vand.u32 $0x7, v3;
	v4 =	vand.u32 $0xFFFFFFF0, v33  }
0x102: {  	v3 =	vor.u32 v3, v4  }
0x103: {  	v3 =	vperm.xlane v3, v0;
	_ =	sdelay $0x1  }
0x104: {  	v3 =	vadd.s32 v1, v3;
	_ =	sdelay $0x4  }
0x105: {  	[tilespmem:s31], [sflag:$0x1] =	stream.indirect_vreg.gather [hbm4b:s2+s3], $0x80, v3, vm0, $0xb8;
	[tilespmem:$0x2880] =	vst v63  }
0x106: {  	_ =	swait.ge [sflag:s1], $0x2800  }
0x107: {  	[sflag:s1] =	ssyncset.done $0x0  }
0x108: {  	s0 =	rddreg [dreg:$0xe];
	[sflag:s1] =	ssyncadd.s32 $0xFFFFD800  }
0x109: {  	[hbm4b:s0+s3] =	stream.linear.scatter [tilespmem:s26], [sflag:$0x2], $0x2800, $0x38;
	[tilespmem:$0x2880] =	vst v63  }
0x10a: {  	_ =	swait.ge [sflag:s25], $0x2800  }
0x10b: {  	[sflag:s25] =	ssyncset.done $0x0  }
0x10c: {  	[sflag:s25] =	ssyncadd.s32 $0xFFFFD800  }
0x10d: {  	[tilespmem:s3], [sflag:$0x2] =	stream.linear.gather [hbm4b:s4+s3], $0x28, $0x38;
	[tilespmem:$0x2880] =	vst v63  }
0x10e: {  	_ =	swait.ge [sflag:s25], $0x28  }
0x10f: {  	[sflag:s25] =	ssyncset.done $0x0  }
0x110: {  	[sflag:s25] =	ssyncadd.s32 $0xFFFFFFD8  }
0x111: {  	v3 =	vld [tilespmem:$0x0];
	_ =	sdelay $0x4  }
0x112: {  	v34 =	vshll.u32 v3, $0x1  }
0x113: {  	v3 =	vand.u32 $0x7, v3;
	v4 =	vand.u32 $0xFFFFFFF0, v34  }
0x114: {  	v3 =	vor.u32 v3, v4  }
0x115: {  	v4 =	vperm.xlane v3, v0;
	_ =	sdelay $0x1  }
0x116: {  	v3 =	vperm.xlane v3, v2;
	v4 =	vadd.s32 v1, v4;
	_ =	sdelay $0x1  }
0x117: {  	v3 =	vadd.s32 v1, v3;
	_ =	sdelay $0x2  }
0x118: {  	[tilespmem:s26], [sflag:$0x1] =	stream.indirect_vreg.gather [hbm4b:s2+s3], $0x80, v4, vm0, $0xb8;
	[tilespmem:$0x2880] =	vst v63  }
0x119: {  	_ = 	snop  }
0x11a: {  	[tilespmem:s28], [sflag:$0x1] =	stream.indirect_vreg.gather [hbm4b:s2+s3], $0x80, v3, vm0, $0xb8;
	[tilespmem:$0x2880] =	vst v63  }
0x11b: {  	v3 =	vld [tilespmem:$0x10];
	_ =	sdelay $0x4  }
0x11c: {  	v35 =	vshll.u32 v3, $0x1  }
0x11d: {  	v3 =	vand.u32 $0x7, v3;
	v4 =	vand.u32 $0xFFFFFFF0, v35  }
0x11e: {  	v3 =	vor.u32 v3, v4  }
0x11f: {  	v4 =	vperm.xlane v3, v0;
	_ =	sdelay $0x1  }
0x120: {  	v3 =	vperm.xlane v3, v2;
	v4 =	vadd.s32 v1, v4;
	_ =	sdelay $0x1  }
0x121: {  	v3 =	vadd.s32 v1, v3;
	_ =	sdelay $0x2  }
0x122: {  	[tilespmem:s29], [sflag:$0x1] =	stream.indirect_vreg.gather [hbm4b:s2+s3], $0x80, v4, vm0, $0xb8;
	[tilespmem:$0x2880] =	vst v63  }
0x123: {  	_ = 	snop  }
0x124: {  	[tilespmem:s30], [sflag:$0x1] =	stream.indirect_vreg.gather [hbm4b:s2+s3], $0x80, v3, vm0, $0xb8;
	[tilespmem:$0x2880] =	vst v63  }
0x125: {  	v3 =	vld.msk [tilespmem:$0x20], $0xff;
	_ =	sdelay $0x4  }
0x126: {  	v36 =	vshll.u32 v3, $0x1  }
0x127: {  	v3 =	vand.u32 $0x7, v3;
	v4 =	vand.u32 $0xFFFFFFF0, v36  }
0x128: {  	v3 =	vor.u32 v3, v4  }
0x129: {  	v3 =	vperm.xlane v3, v0;
	_ =	sdelay $0x1  }
0x12a: {  	v3 =	vadd.s32 v1, v3;
	_ =	sdelay $0x4  }
0x12b: {  	[tilespmem:s31], [sflag:$0x1] =	stream.indirect_vreg.gather [hbm4b:s2+s3], $0x80, v3, vm0, $0xb8;
	[tilespmem:$0x2880] =	vst v63  }
0x12c: {  	_ =	swait.ge [sflag:s1], $0x2800  }
0x12d: {  	[sflag:s1] =	ssyncset.done $0x0  }
0x12e: {  	[sflag:s1] =	ssyncadd.s32 $0xFFFFD800  }
0x12f: {  	[hbm4b:s14+s3] =	stream.linear.scatter [tilespmem:s26], [sflag:$0x2], $0x2800, $0x38;
	[tilespmem:$0x2880] =	vst v63  }
0x130: {  	_ =	swait.ge [sflag:s25], $0x2800  }
0x131: {  	[sflag:s25] =	ssyncset.done $0x0  }
0x132: {  	[sflag:s25] =	ssyncadd.s32 $0xFFFFD800  }
0x133: {  	[tilespmem:s3], [sflag:$0x2] =	stream.linear.gather [hbm4b:s5+s3], $0x28, $0x38;
	[tilespmem:$0x2880] =	vst v63  }
0x134: {  	_ =	swait.ge [sflag:s25], $0x28  }
0x135: {  	[sflag:s25] =	ssyncset.done $0x0  }
0x136: {  	[sflag:s25] =	ssyncadd.s32 $0xFFFFFFD8  }
0x137: {  	v3 =	vld [tilespmem:$0x0];
	_ =	sdelay $0x4  }
0x138: {  	v37 =	vshll.u32 v3, $0x1  }
0x139: {  	v3 =	vand.u32 $0x7, v3;
	v4 =	vand.u32 $0xFFFFFFF0, v37  }
0x13a: {  	v3 =	vor.u32 v3, v4  }
0x13b: {  	v4 =	vperm.xlane v3, v0;
	_ =	sdelay $0x1  }
0x13c: {  	v3 =	vperm.xlane v3, v2;
	v4 =	vadd.s32 v1, v4;
	_ =	sdelay $0x1  }
0x13d: {  	v3 =	vadd.s32 v1, v3;
	_ =	sdelay $0x2  }
0x13e: {  	[tilespmem:s26], [sflag:$0x1] =	stream.indirect_vreg.gather [hbm4b:s2+s3], $0x80, v4, vm0, $0xb8;
	[tilespmem:$0x2880] =	vst v63  }
0x13f: {  	_ = 	snop  }
0x140: {  	[tilespmem:s28], [sflag:$0x1] =	stream.indirect_vreg.gather [hbm4b:s2+s3], $0x80, v3, vm0, $0xb8;
	[tilespmem:$0x2880] =	vst v63  }
0x141: {  	v3 =	vld [tilespmem:$0x10];
	_ =	sdelay $0x4  }
0x142: {  	v38 =	vshll.u32 v3, $0x1  }
0x143: {  	v3 =	vand.u32 $0x7, v3;
	v4 =	vand.u32 $0xFFFFFFF0, v38  }
0x144: {  	v3 =	vor.u32 v3, v4  }
0x145: {  	v4 =	vperm.xlane v3, v0;
	_ =	sdelay $0x1  }
0x146: {  	v3 =	vperm.xlane v3, v2;
	v4 =	vadd.s32 v1, v4;
	_ =	sdelay $0x1  }
0x147: {  	v3 =	vadd.s32 v1, v3;
	_ =	sdelay $0x2  }
0x148: {  	[tilespmem:s29], [sflag:$0x1] =	stream.indirect_vreg.gather [hbm4b:s2+s3], $0x80, v4, vm0, $0xb8;
	[tilespmem:$0x2880] =	vst v63  }
0x149: {  	_ = 	snop  }
0x14a: {  	[tilespmem:s30], [sflag:$0x1] =	stream.indirect_vreg.gather [hbm4b:s2+s3], $0x80, v3, vm0, $0xb8;
	[tilespmem:$0x2880] =	vst v63  }
0x14b: {  	v3 =	vld.msk [tilespmem:$0x20], $0xff;
	_ =	sdelay $0x4  }
0x14c: {  	v39 =	vshll.u32 v3, $0x1  }
0x14d: {  	v3 =	vand.u32 $0x7, v3;
	v4 =	vand.u32 $0xFFFFFFF0, v39  }
0x14e: {  	v3 =	vor.u32 v3, v4  }
0x14f: {  	v3 =	vperm.xlane v3, v0;
	_ =	sdelay $0x1  }
0x150: {  	v3 =	vadd.s32 v1, v3;
	_ =	sdelay $0x4  }
0x151: {  	[tilespmem:s31], [sflag:$0x1] =	stream.indirect_vreg.gather [hbm4b:s2+s3], $0x80, v3, vm0, $0xb8;
	[tilespmem:$0x2880] =	vst v63  }
0x152: {  	_ =	swait.ge [sflag:s1], $0x2800  }
0x153: {  	[sflag:s1] =	ssyncset.done $0x0  }
0x154: {  	[sflag:s1] =	ssyncadd.s32 $0xFFFFD800  }
0x155: {  	[hbm4b:s15+s3] =	stream.linear.scatter [tilespmem:s26], [sflag:$0x2], $0x2800, $0x38;
	[tilespmem:$0x2880] =	vst v63  }
0x156: {  	_ =	swait.ge [sflag:s25], $0x2800  }
0x157: {  	[sflag:s25] =	ssyncset.done $0x0  }
0x158: {  	[sflag:s25] =	ssyncadd.s32 $0xFFFFD800  }
0x159: {  	[tilespmem:s3], [sflag:$0x2] =	stream.linear.gather [hbm4b:s6+s3], $0x28, $0x38;
	[tilespmem:$0x2880] =	vst v63  }
0x15a: {  	_ =	swait.ge [sflag:s25], $0x28  }
0x15b: {  	[sflag:s25] =	ssyncset.done $0x0  }
0x15c: {  	[sflag:s25] =	ssyncadd.s32 $0xFFFFFFD8  }
0x15d: {  	v3 =	vld [tilespmem:$0x0];
	_ =	sdelay $0x4  }
0x15e: {  	v40 =	vshll.u32 v3, $0x1  }
0x15f: {  	v3 =	vand.u32 $0x7, v3;
	v4 =	vand.u32 $0xFFFFFFF0, v40  }
0x160: {  	v3 =	vor.u32 v3, v4  }
0x161: {  	v4 =	vperm.xlane v3, v0;
	_ =	sdelay $0x1  }
0x162: {  	v3 =	vperm.xlane v3, v2;
	v4 =	vadd.s32 v1, v4;
	_ =	sdelay $0x1  }
0x163: {  	v3 =	vadd.s32 v1, v3;
	_ =	sdelay $0x2  }
0x164: {  	[tilespmem:s26], [sflag:$0x1] =	stream.indirect_vreg.gather [hbm4b:s2+s3], $0x80, v4, vm0, $0xb8;
	[tilespmem:$0x2880] =	vst v63  }
0x165: {  	_ = 	snop  }
0x166: {  	[tilespmem:s28], [sflag:$0x1] =	stream.indirect_vreg.gather [hbm4b:s2+s3], $0x80, v3, vm0, $0xb8;
	[tilespmem:$0x2880] =	vst v63  }
0x167: {  	v3 =	vld [tilespmem:$0x10];
	_ =	sdelay $0x4  }
0x168: {  	v41 =	vshll.u32 v3, $0x1  }
0x169: {  	v3 =	vand.u32 $0x7, v3;
	v4 =	vand.u32 $0xFFFFFFF0, v41  }
0x16a: {  	v3 =	vor.u32 v3, v4  }
0x16b: {  	v4 =	vperm.xlane v3, v0;
	_ =	sdelay $0x1  }
0x16c: {  	v3 =	vperm.xlane v3, v2;
	v4 =	vadd.s32 v1, v4;
	_ =	sdelay $0x1  }
0x16d: {  	v3 =	vadd.s32 v1, v3;
	_ =	sdelay $0x2  }
0x16e: {  	[tilespmem:s29], [sflag:$0x1] =	stream.indirect_vreg.gather [hbm4b:s2+s3], $0x80, v4, vm0, $0xb8;
	[tilespmem:$0x2880] =	vst v63  }
0x16f: {  	_ = 	snop  }
0x170: {  	[tilespmem:s30], [sflag:$0x1] =	stream.indirect_vreg.gather [hbm4b:s2+s3], $0x80, v3, vm0, $0xb8;
	[tilespmem:$0x2880] =	vst v63  }
0x171: {  	v3 =	vld.msk [tilespmem:$0x20], $0xff;
	_ =	sdelay $0x4  }
0x172: {  	v42 =	vshll.u32 v3, $0x1  }
0x173: {  	v3 =	vand.u32 $0x7, v3;
	v4 =	vand.u32 $0xFFFFFFF0, v42  }
0x174: {  	v3 =	vor.u32 v3, v4  }
0x175: {  	v3 =	vperm.xlane v3, v0;
	_ =	sdelay $0x1  }
0x176: {  	v3 =	vadd.s32 v1, v3;
	_ =	sdelay $0x4  }
0x177: {  	[tilespmem:s31], [sflag:$0x1] =	stream.indirect_vreg.gather [hbm4b:s2+s3], $0x80, v3, vm0, $0xb8;
	[tilespmem:$0x2880] =	vst v63  }
0x178: {  	_ =	swait.ge [sflag:s1], $0x2800  }
0x179: {  	[sflag:s1] =	ssyncset.done $0x0  }
0x17a: {  	[sflag:s1] =	ssyncadd.s32 $0xFFFFD800  }
0x17b: {  	[hbm4b:s16+s3] =	stream.linear.scatter [tilespmem:s26], [sflag:$0x2], $0x2800, $0x38;
	[tilespmem:$0x2880] =	vst v63  }
0x17c: {  	_ =	swait.ge [sflag:s25], $0x2800  }
0x17d: {  	[sflag:s25] =	ssyncset.done $0x0  }
0x17e: {  	[sflag:s25] =	ssyncadd.s32 $0xFFFFD800  }
0x17f: {  	[tilespmem:s3], [sflag:$0x2] =	stream.linear.gather [hbm4b:s7+s3], $0x28, $0x38;
	[tilespmem:$0x2880] =	vst v63  }
0x180: {  	_ =	swait.ge [sflag:s25], $0x28  }
0x181: {  	[sflag:s25] =	ssyncset.done $0x0  }
0x182: {  	[sflag:s25] =	ssyncadd.s32 $0xFFFFFFD8  }
0x183: {  	v3 =	vld [tilespmem:$0x0];
	_ =	sdelay $0x4  }
0x184: {  	v43 =	vshll.u32 v3, $0x1  }
0x185: {  	v3 =	vand.u32 $0x7, v3;
	v4 =	vand.u32 $0xFFFFFFF0, v43  }
0x186: {  	v3 =	vor.u32 v3, v4  }
0x187: {  	v4 =	vperm.xlane v3, v0;
	_ =	sdelay $0x1  }
0x188: {  	v3 =	vperm.xlane v3, v2;
	v4 =	vadd.s32 v1, v4;
	_ =	sdelay $0x1  }
0x189: {  	v3 =	vadd.s32 v1, v3;
	_ =	sdelay $0x2  }
0x18a: {  	[tilespmem:s26], [sflag:$0x1] =	stream.indirect_vreg.gather [hbm4b:s2+s3], $0x80, v4, vm0, $0xb8;
	[tilespmem:$0x2880] =	vst v63  }
0x18b: {  	_ = 	snop  }
0x18c: {  	[tilespmem:s28], [sflag:$0x1] =	stream.indirect_vreg.gather [hbm4b:s2+s3], $0x80, v3, vm0, $0xb8;
	[tilespmem:$0x2880] =	vst v63  }
0x18d: {  	v3 =	vld [tilespmem:$0x10];
	_ =	sdelay $0x4  }
0x18e: {  	v44 =	vshll.u32 v3, $0x1  }
0x18f: {  	v3 =	vand.u32 $0x7, v3;
	v4 =	vand.u32 $0xFFFFFFF0, v44  }
0x190: {  	v3 =	vor.u32 v3, v4  }
0x191: {  	v4 =	vperm.xlane v3, v0;
	_ =	sdelay $0x1  }
0x192: {  	v3 =	vperm.xlane v3, v2;
	v4 =	vadd.s32 v1, v4;
	_ =	sdelay $0x1  }
0x193: {  	v3 =	vadd.s32 v1, v3;
	_ =	sdelay $0x2  }
0x194: {  	[tilespmem:s29], [sflag:$0x1] =	stream.indirect_vreg.gather [hbm4b:s2+s3], $0x80, v4, vm0, $0xb8;
	[tilespmem:$0x2880] =	vst v63  }
0x195: {  	_ = 	snop  }
0x196: {  	[tilespmem:s30], [sflag:$0x1] =	stream.indirect_vreg.gather [hbm4b:s2+s3], $0x80, v3, vm0, $0xb8;
	[tilespmem:$0x2880] =	vst v63  }
0x197: {  	v3 =	vld.msk [tilespmem:$0x20], $0xff;
	_ =	sdelay $0x4  }
0x198: {  	v45 =	vshll.u32 v3, $0x1  }
0x199: {  	v3 =	vand.u32 $0x7, v3;
	v4 =	vand.u32 $0xFFFFFFF0, v45  }
0x19a: {  	v3 =	vor.u32 v3, v4  }
0x19b: {  	v3 =	vperm.xlane v3, v0;
	_ =	sdelay $0x1  }
0x19c: {  	v3 =	vadd.s32 v1, v3;
	_ =	sdelay $0x4  }
0x19d: {  	[tilespmem:s31], [sflag:$0x1] =	stream.indirect_vreg.gather [hbm4b:s2+s3], $0x80, v3, vm0, $0xb8;
	[tilespmem:$0x2880] =	vst v63  }
0x19e: {  	_ =	swait.ge [sflag:s1], $0x2800  }
0x19f: {  	[sflag:s1] =	ssyncset.done $0x0  }
0x1a0: {  	[sflag:s1] =	ssyncadd.s32 $0xFFFFD800  }
0x1a1: {  	[hbm4b:s17+s3] =	stream.linear.scatter [tilespmem:s26], [sflag:$0x2], $0x2800, $0x38;
	[tilespmem:$0x2880] =	vst v63  }
0x1a2: {  	_ =	swait.ge [sflag:s25], $0x2800  }
0x1a3: {  	[sflag:s25] =	ssyncset.done $0x0  }
0x1a4: {  	[sflag:s25] =	ssyncadd.s32 $0xFFFFD800  }
0x1a5: {  	[tilespmem:s3], [sflag:$0x2] =	stream.linear.gather [hbm4b:s8+s3], $0x28, $0x38;
	[tilespmem:$0x2880] =	vst v63  }
0x1a6: {  	_ =	swait.ge [sflag:s25], $0x28  }
0x1a7: {  	[sflag:s25] =	ssyncset.done $0x0  }
0x1a8: {  	[sflag:s25] =	ssyncadd.s32 $0xFFFFFFD8  }
0x1a9: {  	v3 =	vld [tilespmem:$0x0];
	_ =	sdelay $0x4  }
0x1aa: {  	v46 =	vshll.u32 v3, $0x1  }
0x1ab: {  	v3 =	vand.u32 $0x7, v3;
	v4 =	vand.u32 $0xFFFFFFF0, v46  }
0x1ac: {  	v3 =	vor.u32 v3, v4  }
0x1ad: {  	v4 =	vperm.xlane v3, v0;
	_ =	sdelay $0x1  }
0x1ae: {  	v3 =	vperm.xlane v3, v2;
	v4 =	vadd.s32 v1, v4;
	_ =	sdelay $0x1  }
0x1af: {  	v3 =	vadd.s32 v1, v3;
	_ =	sdelay $0x2  }
0x1b0: {  	[tilespmem:s26], [sflag:$0x1] =	stream.indirect_vreg.gather [hbm4b:s2+s3], $0x80, v4, vm0, $0xb8;
	[tilespmem:$0x2880] =	vst v63  }
0x1b1: {  	_ = 	snop  }
0x1b2: {  	[tilespmem:s28], [sflag:$0x1] =	stream.indirect_vreg.gather [hbm4b:s2+s3], $0x80, v3, vm0, $0xb8;
	[tilespmem:$0x2880] =	vst v63  }
0x1b3: {  	v3 =	vld [tilespmem:$0x10];
	_ =	sdelay $0x4  }
0x1b4: {  	v47 =	vshll.u32 v3, $0x1  }
0x1b5: {  	v3 =	vand.u32 $0x7, v3;
	v4 =	vand.u32 $0xFFFFFFF0, v47  }
0x1b6: {  	v3 =	vor.u32 v3, v4  }
0x1b7: {  	v4 =	vperm.xlane v3, v0;
	_ =	sdelay $0x1  }
0x1b8: {  	v3 =	vperm.xlane v3, v2;
	v4 =	vadd.s32 v1, v4;
	_ =	sdelay $0x1  }
0x1b9: {  	v3 =	vadd.s32 v1, v3;
	_ =	sdelay $0x2  }
0x1ba: {  	[tilespmem:s29], [sflag:$0x1] =	stream.indirect_vreg.gather [hbm4b:s2+s3], $0x80, v4, vm0, $0xb8;
	[tilespmem:$0x2880] =	vst v63  }
0x1bb: {  	_ = 	snop  }
0x1bc: {  	[tilespmem:s30], [sflag:$0x1] =	stream.indirect_vreg.gather [hbm4b:s2+s3], $0x80, v3, vm0, $0xb8;
	[tilespmem:$0x2880] =	vst v63  }
0x1bd: {  	v3 =	vld.msk [tilespmem:$0x20], $0xff;
	_ =	sdelay $0x4  }
0x1be: {  	v48 =	vshll.u32 v3, $0x1  }
0x1bf: {  	v3 =	vand.u32 $0x7, v3;
	v4 =	vand.u32 $0xFFFFFFF0, v48  }
0x1c0: {  	v3 =	vor.u32 v3, v4  }
0x1c1: {  	v3 =	vperm.xlane v3, v0;
	_ =	sdelay $0x1  }
0x1c2: {  	v3 =	vadd.s32 v1, v3;
	_ =	sdelay $0x4  }
0x1c3: {  	[tilespmem:s31], [sflag:$0x1] =	stream.indirect_vreg.gather [hbm4b:s2+s3], $0x80, v3, vm0, $0xb8;
	[tilespmem:$0x2880] =	vst v63  }
0x1c4: {  	_ =	swait.ge [sflag:s1], $0x2800  }
0x1c5: {  	[sflag:s1] =	ssyncset.done $0x0  }
0x1c6: {  	[sflag:s1] =	ssyncadd.s32 $0xFFFFD800  }
0x1c7: {  	[hbm4b:s18+s3] =	stream.linear.scatter [tilespmem:s26], [sflag:$0x2], $0x2800, $0x38;
	[tilespmem:$0x2880] =	vst v63  }
0x1c8: {  	_ =	swait.ge [sflag:s25], $0x2800  }
0x1c9: {  	[sflag:s25] =	ssyncset.done $0x0  }
0x1ca: {  	[sflag:s25] =	ssyncadd.s32 $0xFFFFD800  }
0x1cb: {  	[tilespmem:s3], [sflag:$0x2] =	stream.linear.gather [hbm4b:s9+s3], $0x28, $0x38;
	[tilespmem:$0x2880] =	vst v63  }
0x1cc: {  	_ =	swait.ge [sflag:s25], $0x28  }
0x1cd: {  	[sflag:s25] =	ssyncset.done $0x0  }
0x1ce: {  	[sflag:s25] =	ssyncadd.s32 $0xFFFFFFD8  }
0x1cf: {  	v3 =	vld [tilespmem:$0x0];
	_ =	sdelay $0x4  }
0x1d0: {  	v49 =	vshll.u32 v3, $0x1  }
0x1d1: {  	v3 =	vand.u32 $0x7, v3;
	v4 =	vand.u32 $0xFFFFFFF0, v49  }
0x1d2: {  	v3 =	vor.u32 v3, v4  }
0x1d3: {  	v4 =	vperm.xlane v3, v0;
	_ =	sdelay $0x1  }
0x1d4: {  	v3 =	vperm.xlane v3, v2;
	v4 =	vadd.s32 v1, v4;
	_ =	sdelay $0x1  }
0x1d5: {  	v3 =	vadd.s32 v1, v3;
	_ =	sdelay $0x2  }
0x1d6: {  	[tilespmem:s26], [sflag:$0x1] =	stream.indirect_vreg.gather [hbm4b:s2+s3], $0x80, v4, vm0, $0xb8;
	[tilespmem:$0x2880] =	vst v63  }
0x1d7: {  	_ = 	snop  }
0x1d8: {  	[tilespmem:s28], [sflag:$0x1] =	stream.indirect_vreg.gather [hbm4b:s2+s3], $0x80, v3, vm0, $0xb8;
	[tilespmem:$0x2880] =	vst v63  }
0x1d9: {  	v3 =	vld [tilespmem:$0x10];
	_ =	sdelay $0x4  }
0x1da: {  	v50 =	vshll.u32 v3, $0x1  }
0x1db: {  	v3 =	vand.u32 $0x7, v3;
	v4 =	vand.u32 $0xFFFFFFF0, v50  }
0x1dc: {  	v3 =	vor.u32 v3, v4  }
0x1dd: {  	v4 =	vperm.xlane v3, v0;
	_ =	sdelay $0x1  }
0x1de: {  	v3 =	vperm.xlane v3, v2;
	v4 =	vadd.s32 v1, v4;
	_ =	sdelay $0x1  }
0x1df: {  	v3 =	vadd.s32 v1, v3;
	_ =	sdelay $0x2  }
0x1e0: {  	[tilespmem:s29], [sflag:$0x1] =	stream.indirect_vreg.gather [hbm4b:s2+s3], $0x80, v4, vm0, $0xb8;
	[tilespmem:$0x2880] =	vst v63  }
0x1e1: {  	_ = 	snop  }
0x1e2: {  	[tilespmem:s30], [sflag:$0x1] =	stream.indirect_vreg.gather [hbm4b:s2+s3], $0x80, v3, vm0, $0xb8;
	[tilespmem:$0x2880] =	vst v63  }
0x1e3: {  	v3 =	vld.msk [tilespmem:$0x20], $0xff;
	_ =	sdelay $0x4  }
0x1e4: {  	v51 =	vshll.u32 v3, $0x1  }
0x1e5: {  	v3 =	vand.u32 $0x7, v3;
	v4 =	vand.u32 $0xFFFFFFF0, v51  }
0x1e6: {  	v3 =	vor.u32 v3, v4  }
0x1e7: {  	v3 =	vperm.xlane v3, v0;
	_ =	sdelay $0x1  }
0x1e8: {  	v3 =	vadd.s32 v1, v3;
	_ =	sdelay $0x4  }
0x1e9: {  	[tilespmem:s31], [sflag:$0x1] =	stream.indirect_vreg.gather [hbm4b:s2+s3], $0x80, v3, vm0, $0xb8;
	[tilespmem:$0x2880] =	vst v63  }
0x1ea: {  	_ =	swait.ge [sflag:s1], $0x2800  }
0x1eb: {  	[sflag:s1] =	ssyncset.done $0x0  }
0x1ec: {  	[sflag:s1] =	ssyncadd.s32 $0xFFFFD800  }
0x1ed: {  	[hbm4b:s19+s3] =	stream.linear.scatter [tilespmem:s26], [sflag:$0x2], $0x2800, $0x38;
	[tilespmem:$0x2880] =	vst v63  }
0x1ee: {  	_ =	swait.ge [sflag:s25], $0x2800  }
0x1ef: {  	[sflag:s25] =	ssyncset.done $0x0  }
0x1f0: {  	[sflag:s25] =	ssyncadd.s32 $0xFFFFD800  }
0x1f1: {  	[tilespmem:s3], [sflag:$0x2] =	stream.linear.gather [hbm4b:s10+s3], $0x28, $0x38;
	[tilespmem:$0x2880] =	vst v63  }
0x1f2: {  	_ =	swait.ge [sflag:s25], $0x28  }
0x1f3: {  	[sflag:s25] =	ssyncset.done $0x0  }
0x1f4: {  	[sflag:s25] =	ssyncadd.s32 $0xFFFFFFD8  }
0x1f5: {  	v3 =	vld [tilespmem:$0x0];
	_ =	sdelay $0x4  }
0x1f6: {  	v52 =	vshll.u32 v3, $0x1  }
0x1f7: {  	v3 =	vand.u32 $0x7, v3;
	v4 =	vand.u32 $0xFFFFFFF0, v52  }
0x1f8: {  	v3 =	vor.u32 v3, v4  }
0x1f9: {  	v4 =	vperm.xlane v3, v0;
	_ =	sdelay $0x1  }
0x1fa: {  	v3 =	vperm.xlane v3, v2;
	v4 =	vadd.s32 v1, v4;
	_ =	sdelay $0x1  }
0x1fb: {  	v3 =	vadd.s32 v1, v3;
	_ =	sdelay $0x2  }
0x1fc: {  	[tilespmem:s26], [sflag:$0x1] =	stream.indirect_vreg.gather [hbm4b:s2+s3], $0x80, v4, vm0, $0xb8;
	[tilespmem:$0x2880] =	vst v63  }
0x1fd: {  	_ = 	snop  }
0x1fe: {  	[tilespmem:s28], [sflag:$0x1] =	stream.indirect_vreg.gather [hbm4b:s2+s3], $0x80, v3, vm0, $0xb8;
	[tilespmem:$0x2880] =	vst v63  }
0x1ff: {  	v3 =	vld [tilespmem:$0x10];
	_ =	sdelay $0x4  }
0x200: {  	v53 =	vshll.u32 v3, $0x1  }
0x201: {  	v3 =	vand.u32 $0x7, v3;
	v4 =	vand.u32 $0xFFFFFFF0, v53  }
0x202: {  	v3 =	vor.u32 v3, v4  }
0x203: {  	v4 =	vperm.xlane v3, v0;
	_ =	sdelay $0x1  }
0x204: {  	v3 =	vperm.xlane v3, v2;
	v4 =	vadd.s32 v1, v4;
	_ =	sdelay $0x1  }
0x205: {  	v3 =	vadd.s32 v1, v3;
	_ =	sdelay $0x2  }
0x206: {  	[tilespmem:s29], [sflag:$0x1] =	stream.indirect_vreg.gather [hbm4b:s2+s3], $0x80, v4, vm0, $0xb8;
	[tilespmem:$0x2880] =	vst v63  }
0x207: {  	_ = 	snop  }
0x208: {  	[tilespmem:s30], [sflag:$0x1] =	stream.indirect_vreg.gather [hbm4b:s2+s3], $0x80, v3, vm0, $0xb8;
	[tilespmem:$0x2880] =	vst v63  }
0x209: {  	v3 =	vld.msk [tilespmem:$0x20], $0xff;
	_ =	sdelay $0x4  }
0x20a: {  	v54 =	vshll.u32 v3, $0x1  }
0x20b: {  	v3 =	vand.u32 $0x7, v3;
	v4 =	vand.u32 $0xFFFFFFF0, v54  }
0x20c: {  	v3 =	vor.u32 v3, v4  }
0x20d: {  	v3 =	vperm.xlane v3, v0;
	_ =	sdelay $0x1  }
0x20e: {  	v3 =	vadd.s32 v1, v3;
	_ =	sdelay $0x4  }
0x20f: {  	[tilespmem:s31], [sflag:$0x1] =	stream.indirect_vreg.gather [hbm4b:s2+s3], $0x80, v3, vm0, $0xb8;
	[tilespmem:$0x2880] =	vst v63  }
0x210: {  	_ =	swait.ge [sflag:s1], $0x2800  }
0x211: {  	[sflag:s1] =	ssyncset.done $0x0  }
0x212: {  	[sflag:s1] =	ssyncadd.s32 $0xFFFFD800  }
0x213: {  	[hbm4b:s20+s3] =	stream.linear.scatter [tilespmem:s26], [sflag:$0x2], $0x2800, $0x38;
	[tilespmem:$0x2880] =	vst v63  }
0x214: {  	_ =	swait.ge [sflag:s25], $0x2800  }
0x215: {  	[sflag:s25] =	ssyncset.done $0x0  }
0x216: {  	[sflag:s25] =	ssyncadd.s32 $0xFFFFD800  }
0x217: {  	[tilespmem:s3], [sflag:$0x2] =	stream.linear.gather [hbm4b:s11+s3], $0x28, $0x38;
	[tilespmem:$0x2880] =	vst v63  }
0x218: {  	_ =	swait.ge [sflag:s25], $0x28  }
0x219: {  	[sflag:s25] =	ssyncset.done $0x0  }
0x21a: {  	[sflag:s25] =	ssyncadd.s32 $0xFFFFFFD8  }
0x21b: {  	v3 =	vld [tilespmem:$0x0];
	_ =	sdelay $0x4  }
0x21c: {  	v55 =	vshll.u32 v3, $0x1  }
0x21d: {  	v3 =	vand.u32 $0x7, v3;
	v4 =	vand.u32 $0xFFFFFFF0, v55  }
0x21e: {  	v3 =	vor.u32 v3, v4  }
0x21f: {  	v4 =	vperm.xlane v3, v0;
	_ =	sdelay $0x1  }
0x220: {  	v3 =	vperm.xlane v3, v2;
	v4 =	vadd.s32 v1, v4;
	_ =	sdelay $0x1  }
0x221: {  	v3 =	vadd.s32 v1, v3;
	_ =	sdelay $0x2  }
0x222: {  	[tilespmem:s26], [sflag:$0x1] =	stream.indirect_vreg.gather [hbm4b:s2+s3], $0x80, v4, vm0, $0xb8;
	[tilespmem:$0x2880] =	vst v63  }
0x223: {  	_ = 	snop  }
0x224: {  	[tilespmem:s28], [sflag:$0x1] =	stream.indirect_vreg.gather [hbm4b:s2+s3], $0x80, v3, vm0, $0xb8;
	[tilespmem:$0x2880] =	vst v63  }
0x225: {  	v3 =	vld [tilespmem:$0x10];
	_ =	sdelay $0x4  }
0x226: {  	v56 =	vshll.u32 v3, $0x1  }
0x227: {  	v3 =	vand.u32 $0x7, v3;
	v4 =	vand.u32 $0xFFFFFFF0, v56  }
0x228: {  	v3 =	vor.u32 v3, v4  }
0x229: {  	v4 =	vperm.xlane v3, v0;
	_ =	sdelay $0x1  }
0x22a: {  	v3 =	vperm.xlane v3, v2;
	v4 =	vadd.s32 v1, v4;
	_ =	sdelay $0x1  }
0x22b: {  	v3 =	vadd.s32 v1, v3;
	_ =	sdelay $0x2  }
0x22c: {  	[tilespmem:s29], [sflag:$0x1] =	stream.indirect_vreg.gather [hbm4b:s2+s3], $0x80, v4, vm0, $0xb8;
	[tilespmem:$0x2880] =	vst v63  }
0x22d: {  	_ = 	snop  }
0x22e: {  	[tilespmem:s30], [sflag:$0x1] =	stream.indirect_vreg.gather [hbm4b:s2+s3], $0x80, v3, vm0, $0xb8;
	[tilespmem:$0x2880] =	vst v63  }
0x22f: {  	v3 =	vld.msk [tilespmem:$0x20], $0xff;
	_ =	sdelay $0x4  }
0x230: {  	v57 =	vshll.u32 v3, $0x1  }
0x231: {  	v3 =	vand.u32 $0x7, v3;
	v4 =	vand.u32 $0xFFFFFFF0, v57  }
0x232: {  	v3 =	vor.u32 v3, v4  }
0x233: {  	v3 =	vperm.xlane v3, v0;
	_ =	sdelay $0x1  }
0x234: {  	v3 =	vadd.s32 v1, v3;
	_ =	sdelay $0x4  }
0x235: {  	[tilespmem:s31], [sflag:$0x1] =	stream.indirect_vreg.gather [hbm4b:s2+s3], $0x80, v3, vm0, $0xb8;
	[tilespmem:$0x2880] =	vst v63  }
0x236: {  	_ =	swait.ge [sflag:s1], $0x2800  }
0x237: {  	[sflag:s1] =	ssyncset.done $0x0  }
0x238: {  	[sflag:s1] =	ssyncadd.s32 $0xFFFFD800  }
0x239: {  	[hbm4b:s21+s3] =	stream.linear.scatter [tilespmem:s26], [sflag:$0x2], $0x2800, $0x38;
	[tilespmem:$0x2880] =	vst v63  }
0x23a: {  	_ =	swait.ge [sflag:s25], $0x2800  }
0x23b: {  	[sflag:s25] =	ssyncset.done $0x0  }
0x23c: {  	[sflag:s25] =	ssyncadd.s32 $0xFFFFD800  }
0x23d: {  	[tilespmem:s3], [sflag:$0x2] =	stream.linear.gather [hbm4b:s12+s3], $0x28, $0x38;
	[tilespmem:$0x2880] =	vst v63  }
0x23e: {  	_ =	swait.ge [sflag:s25], $0x28  }
0x23f: {  	[sflag:s25] =	ssyncset.done $0x0  }
0x240: {  	[sflag:s25] =	ssyncadd.s32 $0xFFFFFFD8  }
0x241: {  	v3 =	vld [tilespmem:$0x0];
	_ =	sdelay $0x4  }
0x242: {  	v58 =	vshll.u32 v3, $0x1  }
0x243: {  	v3 =	vand.u32 $0x7, v3;
	v4 =	vand.u32 $0xFFFFFFF0, v58  }
0x244: {  	v3 =	vor.u32 v3, v4  }
0x245: {  	v4 =	vperm.xlane v3, v0;
	_ =	sdelay $0x1  }
0x246: {  	v3 =	vperm.xlane v3, v2;
	v4 =	vadd.s32 v1, v4;
	_ =	sdelay $0x1  }
0x247: {  	v3 =	vadd.s32 v1, v3;
	_ =	sdelay $0x2  }
0x248: {  	[tilespmem:s26], [sflag:$0x1] =	stream.indirect_vreg.gather [hbm4b:s2+s3], $0x80, v4, vm0, $0xb8;
	[tilespmem:$0x2880] =	vst v63  }
0x249: {  	_ = 	snop  }
0x24a: {  	[tilespmem:s28], [sflag:$0x1] =	stream.indirect_vreg.gather [hbm4b:s2+s3], $0x80, v3, vm0, $0xb8;
	[tilespmem:$0x2880] =	vst v63  }
0x24b: {  	v3 =	vld [tilespmem:$0x10];
	_ =	sdelay $0x4  }
0x24c: {  	v59 =	vshll.u32 v3, $0x1  }
0x24d: {  	v3 =	vand.u32 $0x7, v3;
	v4 =	vand.u32 $0xFFFFFFF0, v59  }
0x24e: {  	v3 =	vor.u32 v3, v4  }
0x24f: {  	v4 =	vperm.xlane v3, v0;
	_ =	sdelay $0x1  }
0x250: {  	v3 =	vperm.xlane v3, v2;
	v4 =	vadd.s32 v1, v4;
	_ =	sdelay $0x1  }
0x251: {  	v3 =	vadd.s32 v1, v3;
	_ =	sdelay $0x2  }
0x252: {  	[tilespmem:s29], [sflag:$0x1] =	stream.indirect_vreg.gather [hbm4b:s2+s3], $0x80, v4, vm0, $0xb8;
	[tilespmem:$0x2880] =	vst v63  }
0x253: {  	_ = 	snop  }
0x254: {  	[tilespmem:s30], [sflag:$0x1] =	stream.indirect_vreg.gather [hbm4b:s2+s3], $0x80, v3, vm0, $0xb8;
	[tilespmem:$0x2880] =	vst v63  }
0x255: {  	v3 =	vld.msk [tilespmem:$0x20], $0xff;
	_ =	sdelay $0x4  }
0x256: {  	v60 =	vshll.u32 v3, $0x1  }
0x257: {  	v3 =	vand.u32 $0x7, v3;
	v4 =	vand.u32 $0xFFFFFFF0, v60  }
0x258: {  	v3 =	vor.u32 v3, v4  }
0x259: {  	v3 =	vperm.xlane v3, v0;
	_ =	sdelay $0x1  }
0x25a: {  	v3 =	vadd.s32 v1, v3;
	_ =	sdelay $0x4  }
0x25b: {  	[tilespmem:s31], [sflag:$0x1] =	stream.indirect_vreg.gather [hbm4b:s2+s3], $0x80, v3, vm0, $0xb8;
	[tilespmem:$0x2880] =	vst v63  }
0x25c: {  	_ =	swait.ge [sflag:s1], $0x2800  }
0x25d: {  	[sflag:s1] =	ssyncset.done $0x0  }
0x25e: {  	[sflag:s1] =	ssyncadd.s32 $0xFFFFD800  }
0x25f: {  	[hbm4b:s22+s3] =	stream.linear.scatter [tilespmem:s26], [sflag:$0x2], $0x2800, $0x38;
	[tilespmem:$0x2880] =	vst v63  }
0x260: {  	_ =	swait.ge [sflag:s25], $0x2800  }
0x261: {  	[sflag:s25] =	ssyncset.done $0x0  }
0x262: {  	[sflag:s25] =	ssyncadd.s32 $0xFFFFD800  }
0x263: {  	[tilespmem:s3], [sflag:$0x2] =	stream.linear.gather [hbm4b:s13+s3], $0x28, $0x38;
	[tilespmem:$0x2880] =	vst v63  }
0x264: {  	_ =	swait.ge [sflag:s25], $0x28  }
0x265: {  	[sflag:s25] =	ssyncset.done $0x0  }
0x266: {  	[sflag:s25] =	ssyncadd.s32 $0xFFFFFFD8  }
0x267: {  	v3 =	vld [tilespmem:$0x0];
	_ =	sdelay $0x4  }
0x268: {  	v61 =	vshll.u32 v3, $0x1  }
0x269: {  	v3 =	vand.u32 $0x7, v3;
	v4 =	vand.u32 $0xFFFFFFF0, v61  }
0x26a: {  	v3 =	vor.u32 v3, v4  }
0x26b: {  	v4 =	vperm.xlane v3, v0;
	_ =	sdelay $0x1  }
0x26c: {  	v3 =	vperm.xlane v3, v2;
	v4 =	vadd.s32 v1, v4;
	_ =	sdelay $0x1  }
0x26d: {  	v3 =	vadd.s32 v1, v3;
	_ =	sdelay $0x2  }
0x26e: {  	[tilespmem:s26], [sflag:$0x1] =	stream.indirect_vreg.gather [hbm4b:s2+s3], $0x80, v4, vm0, $0xb8;
	[tilespmem:$0x2880] =	vst v63  }
0x26f: {  	_ = 	snop  }
0x270: {  	[tilespmem:s28], [sflag:$0x1] =	stream.indirect_vreg.gather [hbm4b:s2+s3], $0x80, v3, vm0, $0xb8;
	[tilespmem:$0x2880] =	vst v63  }
0x271: {  	v3 =	vld [tilespmem:$0x10];
	_ =	sdelay $0x4  }
0x272: {  	v62 =	vshll.u32 v3, $0x1  }
0x273: {  	v3 =	vand.u32 $0x7, v3;
	v4 =	vand.u32 $0xFFFFFFF0, v62  }
0x274: {  	v3 =	vor.u32 v3, v4  }
0x275: {  	v4 =	vperm.xlane v3, v0;
	_ =	sdelay $0x1  }
0x276: {  	v3 =	vperm.xlane v3, v2;
	v4 =	vadd.s32 v1, v4;
	_ =	sdelay $0x1  }
0x277: {  	v3 =	vadd.s32 v1, v3;
	_ =	sdelay $0x2  }
0x278: {  	[tilespmem:s29], [sflag:$0x1] =	stream.indirect_vreg.gather [hbm4b:s2+s3], $0x80, v4, vm0, $0xb8;
	[tilespmem:$0x2880] =	vst v63  }
0x279: {  	_ = 	snop  }
0x27a: {  	[tilespmem:s30], [sflag:$0x1] =	stream.indirect_vreg.gather [hbm4b:s2+s3], $0x80, v3, vm0, $0xb8;
	[tilespmem:$0x2880] =	vst v63  }
0x27b: {  	v3 =	vld.msk [tilespmem:$0x20], $0xff;
	_ =	sdelay $0x4  }
0x27c: {  	v63 =	vshll.u32 v3, $0x1  }
0x27d: {  	v3 =	vand.u32 $0x7, v3;
	v4 =	vand.u32 $0xFFFFFFF0, v63  }
0x27e: {  	v3 =	vor.u32 v3, v4  }
0x27f: {  	v3 =	vperm.xlane v3, v0;
	_ =	sdelay $0x1  }
0x280: {  	v3 =	vadd.s32 v1, v3;
	_ =	sdelay $0x4  }
0x281: {  	[tilespmem:s31], [sflag:$0x1] =	stream.indirect_vreg.gather [hbm4b:s2+s3], $0x80, v3, vm0, $0xb8;
	[tilespmem:$0x2880] =	vst v63  }
0x282: {  	_ =	swait.ge [sflag:s1], $0x2800  }
0x283: {  	p0 =	sne.s32 s24, $0x1;
	[sflag:s1] =	ssyncset.done $0x0  }
.Ltmp0:
0x284: {  	[sflag:s1] =	ssyncadd.s32 $0xFFFFD800;
	(pc) =	sbr.rel @p0 .LBB2_1-.Ltmp0, $4  }
0x285: {  	[hbm4b:s23+s3] =	stream.linear.scatter [tilespmem:s26], [sflag:$0x2], $0x2800, $0x38;
	[tilespmem:$0x2880] =	vst v63  }
0x286: {  	_ =	swait.ge [sflag:s25], $0x2800  }
0x287: {  	[sflag:s25] =	ssyncset.done $0x0  }
0x288: {  	s24 =	sadd.s32 $0xFFFFFFFF, s24;
	[sflag:s25] =	ssyncadd.s32 $0xFFFFD800  }
0x289: {  	_ =	sfence.sel $0x180000  }
0x28a: {  	[bflag:$0x0] =	sbarrier.arrive $0xFFFF  }
0x28b: {  	_ =	strace $0x90000047  }
0x28c: {  	s0 =	stileid.u32;
	[bflag:$0x2] =	sbarrier.arrive $0xFFFF  }
0x28d: {  	p0 =	sne.s32 s0, $0x0;
	s0 =	rddreg [dreg:$0x2]  }
0x28e: {  	s0 =	sadd.s32 @!p0 $0x100000, s0  }
0x28f: {  	[sflag:s0] =	ssyncadd.tile.s32 @!p0 $0x1;
	_ =	shalt  }
.Lfunc_end2:
_tile_overlayer_lowered:
.L_overlay_start_2:
0x290: {  	(tag) =	ssettag $0x2  }
0x291: {  	s0 =	rddreg [dreg:$0x0];
	s2 =	stileid.u32  }
0x292: {  	s1 =	rddreg [dreg:$0x1];
	p0 =	sne.s32 s2, $0x0  }
0x293: {  	s3 =	rddreg [dreg:$0x2];
	[bflag:$0x3] =	sbarrier.arrive $0xFFFF;
	s2 =	simm.s32 @!p0 $0x1C02  }
0x294: {  	[timem:s3], [sflag:s2] =	dma.local @!p0 [hbm:s0], s1  }
0x295: {  	s0 =	simm.s32 @!p0 $0x2  }
0x296: {  	_ =	swait.ge @!p0 [sflag:s0], s1  }
0x297: {  	s1 =	ssub.s32 @!p0 $0x0, s1;
	[sflag:s0] =	ssyncset.done @!p0 $0x0  }
0x298: {  	[sflag:s0] =	ssyncadd.s32 @!p0 s1  }
0x299: {  	[bflag:$0x3] =	sbarrier.arrive $0xFFFF  }
0x29a: {  	_ =	shalt  }

</sc_bundles>
